<compile_context>
chip_gen: v7x
topology: tpu7x:2x2x1
jax: 0.10.2.dev20260603
libtpu: 0.0.44.dev20260713+nightly
codegen_flags: <defaults>
</compile_context>

<pallas_src>
import functools

import jax
import jax.numpy as jnp
from jax import lax
from jax.experimental import pallas as pl
from jax.experimental.pallas import tpu as pltpu
from jax.experimental.pallas import tpu_sc as plsc

KP = 1_015_808
ROWS_P = 2048
COLS_P = 1024
NEG = -9999.0
BK = 32768
CH = 8192
L = 16


PADCELL = ROWS_P * COLS_P - 1


def _mlp_body(K, inp, idx, w1, b1, w2, b2, w3, b3, w4, b4, xo, co):
    a = inp[...]
    h = jnp.maximum(jnp.dot(w1[...], a, preferred_element_type=jnp.float32) + b1[...], 0.0)
    h = jnp.maximum(jnp.dot(w2[...], h, preferred_element_type=jnp.float32) + b2[...], 0.0)
    h = jnp.maximum(jnp.dot(w3[...], h, preferred_element_type=jnp.float32) + b3[...], 0.0)
    xo[...] = (jnp.dot(w4[...], h, preferred_element_type=jnp.float32) + b4[...]).reshape(BK)
    pos = pl.program_id(0) * BK + lax.broadcasted_iota(jnp.int32, (1, BK), 1)
    i01 = idx[...]
    cell = i01[0:1, :] * COLS_P + i01[1:2, :]
    co[...] = jnp.where(pos < K, cell, PADCELL).reshape(BK)


def _mlp_call(inp_p, idx, W1, b1, W2, b2, W3, b3, W4, b4):
    grid = KP // BK
    full = lambda i: (0, 0)
    lane = lambda i: (0, i)
    K = inp_p.shape[-1]
    return pl.pallas_call(
        functools.partial(_mlp_body, K),
        grid=(grid,),
        in_specs=[
            pl.BlockSpec((9, BK), lane),
            pl.BlockSpec((2, BK), lane),
            pl.BlockSpec((18, 9), full),
            pl.BlockSpec((18, 1), full),
            pl.BlockSpec((36, 18), full),
            pl.BlockSpec((36, 1), full),
            pl.BlockSpec((36, 36), full),
            pl.BlockSpec((36, 1), full),
            pl.BlockSpec((1, 36), full),
            pl.BlockSpec((1, 1), full),
        ],
        out_specs=[pl.BlockSpec((BK,), lambda i: (i,)),
                   pl.BlockSpec((BK,), lambda i: (i,))],
        out_shape=[
            jax.ShapeDtypeStruct((KP,), jnp.float32),
            jax.ShapeDtypeStruct((KP,), jnp.int32),
        ],
    )(inp_p, idx, W1, b1.reshape(18, 1), W2, b2.reshape(36, 1),
      W3, b3.reshape(36, 1), W4, b4.reshape(1, 1))


@functools.cache
def _make_sc_scatter(NC, NS):
    NW = NC * NS
    CELLS_PER = (ROWS_P * COLS_P) // NW
    NROWS = ROWS_P // NW
    NCH = KP // CH
    NB = 2
    mesh = plsc.VectorSubcoreMesh(core_axis_name="c", subcore_axis_name="s")

    @functools.partial(
        pl.kernel,
        out_type=(jax.ShapeDtypeStruct((ROWS_P,), jnp.float32),
                  jax.ShapeDtypeStruct((NW, COLS_P), jnp.float32)),
        mesh=mesh,
        scratch_types=[
            pltpu.VMEM((CELLS_PER,), jnp.float32),
            pltpu.VMEM((CH,), jnp.int32),
            pltpu.VMEM((CH,), jnp.int32),
            pltpu.VMEM((CH,), jnp.float32),
            pltpu.VMEM((CH,), jnp.float32),
            pltpu.VMEM((COLS_P,), jnp.float32),
            pltpu.VMEM((NROWS,), jnp.float32),
            pltpu.SemaphoreType.DMA,
            pltpu.SemaphoreType.DMA,
            pltpu.SemaphoreType.DMA,
            pltpu.SemaphoreType.DMA,
        ],
        compiler_params=pltpu.CompilerParams(needs_layout_passes=False),
    )
    def sc_a(cell_hbm, x_hbm, out1_hbm, colpart_hbm,
             vtab, cbuf0, cbuf1, xbuf0, xbuf1, colp, rowm,
             csem0, csem1, xsem0, xsem1):
        w = lax.axis_index("c") * NS + lax.axis_index("s")
        base = w * CELLS_PER
        iota = lax.iota(jnp.int32, L)
        negs = jnp.full((L,), NEG, jnp.float32)

        def init_body(i, _):
            vtab[pl.ds(i * L, L)] = negs
            return 0
        lax.fori_loop(0, CELLS_PER // L, init_body, 0)

        cbufs = (cbuf0, cbuf1)
        xbufs = (xbuf0, xbuf1)
        csems = (csem0, csem1)
        xsems = (xsem0, xsem1)
        for b in range(NB):
            pltpu.async_copy(cell_hbm.at[pl.ds(b * CH, CH)], cbufs[b], csems[b])
            pltpu.async_copy(x_hbm.at[pl.ds(b * CH, CH)], xbufs[b], xsems[b])

        UN = 8

        def process(cbuf, xbuf):
            def body(i, _):
                for u in range(UN):
                    j = i * UN + u
                    cv = cbuf[pl.ds(j * L, L)]
                    xv = xbuf[pl.ds(j * L, L)]
                    lv = cv - base
                    valid = lv.astype(jnp.uint32) < CELLS_PER
                    plsc.store_scatter(vtab, [lv], xv, mask=valid)
                return 0
            lax.fori_loop(0, CH // (L * UN), body, 0)

        def outer(g, _):
            for b in range(NB):
                ch = g * NB + b
                pltpu.make_async_copy(
                    cell_hbm.at[pl.ds(ch * CH, CH)], cbufs[b], csems[b]).wait()
                pltpu.make_async_copy(
                    x_hbm.at[pl.ds(ch * CH, CH)], xbufs[b], xsems[b]).wait()
                process(cbufs[b], xbufs[b])

                @pl.when(ch + NB < NCH)
                def _next():
                    pltpu.async_copy(
                        cell_hbm.at[pl.ds((ch + NB) * CH, CH)], cbufs[b], csems[b])
                    pltpu.async_copy(
                        x_hbm.at[pl.ds((ch + NB) * CH, CH)], xbufs[b], xsems[b])
            return 0
        lax.fori_loop(0, NCH // NB, outer, 0)

        def cinit(i, _):
            colp[pl.ds(i * L, L)] = negs
            return 0
        lax.fori_loop(0, COLS_P // L, cinit, 0)

        RUN = 4

        def row_body(r, _):
            def mbody(i, acc):
                accs = []
                for u in range(RUN):
                    j = i * RUN + u
                    vv = vtab[pl.ds(r * COLS_P + j * L, L)]
                    colp[pl.ds(j * L, L)] = jnp.maximum(colp[pl.ds(j * L, L)], vv)
                    accs.append(vv)
                m = jnp.maximum(jnp.maximum(accs[0], accs[1]),
                                jnp.maximum(accs[2], accs[3]))
                return jnp.maximum(acc, m)
            rm = lax.fori_loop(0, COLS_P // (L * RUN), mbody, negs)
            plsc.store_scatter(rowm, [jnp.full((L,), r, jnp.int32)],
                               jnp.full((L,), jnp.max(rm), jnp.float32),
                               mask=iota == 0)
            return 0
        lax.fori_loop(0, NROWS, row_body, 0)

        pltpu.sync_copy(rowm, out1_hbm.at[pl.ds(w * NROWS, NROWS)])
        pltpu.sync_copy(colp, colpart_hbm.at[w])

    return sc_a


def _colmax_body(cp, o):
    o[...] = jnp.max(cp[...], axis=0, keepdims=True)


def kernel(input, T_out, T_indices, W1, b1, W2, b2, W3, b3, W4, b4):
    K = input.shape[-1]
    inp_p = input.reshape(9, K)
    idx = T_indices.astype(jnp.int32)

    x, cells = _mlp_call(inp_p, idx, W1, b1, W2, b2, W3, b3, W4, b4)

    info = plsc.get_sparse_core_info()
    sc_a = _make_sc_scatter(info.num_cores, info.num_subcores)
    out1p, colpart = sc_a(cells, x)

    out2p = pl.pallas_call(
        _colmax_body,
        out_shape=jax.ShapeDtypeStruct((1, COLS_P), jnp.float32),
    )(colpart)

    n1 = T_out.shape[1]
    n2 = T_out.shape[2]
    return out1p[:n1], out2p[0, :n2]

# --- scband reference (transcript-rebuilt; emitter-appended) ---
"""Pipeline reference for scband-ensemble-model-19636590477989 (READ-ONLY COPY).

The authoritative reference and input builder live on the scoring server;
editing this copy changes nothing except your own understanding.
"""

import jax, jax.numpy as jnp
import numpy as np

N_DETS1 = 2000
N_DETS2 = 1000
K = 1000000


def _conv1x1(x, W, b):
    # x: [B, Cin, H, W1]; W: [Cout, Cin]; 1x1 Conv2d is a pointwise matmul over channels
    return jnp.einsum('oc,bchw->bohw', W, x) + b[None, :, None, None]


def setup_inputs(seed: int = 0) -> dict:
    key = jax.random.key(seed)
    ks = jax.random.split(key, 12)
    inp = {}
    inp['input'] = jax.random.normal(ks[0], (1, 9, 1, K), dtype=jnp.float32)
    inp['T_out'] = jnp.zeros((1, N_DETS1, N_DETS2), dtype=jnp.float32)
    idx0 = jax.random.randint(ks[1], (K,), 0, N_DETS1)
    idx1 = jax.random.randint(ks[2], (K,), 0, N_DETS2)
    inp['T_indices'] = jnp.stack([idx0, idx1]).astype(jnp.int64)

    def mk_w(k, cout, cin):
        return (jax.random.normal(k, (cout, cin), dtype=jnp.float32) / np.sqrt(cin)).astype(jnp.float32)

    inp['W1'] = mk_w(ks[3], 18, 9);  inp['b1'] = jnp.zeros((18,), jnp.float32)
    inp['W2'] = mk_w(ks[4], 36, 18); inp['b2'] = jnp.zeros((36,), jnp.float32)
    inp['W3'] = mk_w(ks[5], 36, 36); inp['b3'] = jnp.zeros((36,), jnp.float32)
    inp['W4'] = mk_w(ks[6], 1, 36);  inp['b4'] = jnp.zeros((1,), jnp.float32)
    return inp


def reference(input, T_out, T_indices, W1, b1, W2, b2, W3, b3, W4, b4):
    # Fusion.fuse: stack of 1x1 convs with ReLU
    x = jax.nn.relu(_conv1x1(input, W1, b1))
    x = jax.nn.relu(_conv1x1(x, W2, b2))
    x = jax.nn.relu(_conv1x1(x, W3, b3))
    x = _conv1x1(x, W4, b4)  # [1, 1, 1, K]
    # T_out[:, :, :] = -9999.0 (full overwrite)
    T = jnp.full(T_out.shape, -9999.0, dtype=T_out.dtype)
    # T_out[:, T_indices[0], T_indices[1]] = x[0, 0, :, :]  (scatter-overwrite)
    T = T.at[:, T_indices[0], T_indices[1]].set(x[0, 0, :, :])
    # mode == 'max': MaxPool2d([1, n_dets2]) -> max over axis 2; MaxPool2d([n_dets1, 1]) -> max over axis 1
    out1 = jnp.max(T, axis=2).squeeze()  # [n_dets1]
    out2 = jnp.max(T, axis=1).squeeze()  # [n_dets2]
    return (out1, out2)

if __name__ == "__main__":
    import jax
    _d = setup_inputs()
    print(jax.jit(kernel)(*tuple(_d.values())))

</pallas_src>

<mosaic_0001>
#map = affine_map<(d0, d1) -> (0)>
#map1 = affine_map<(d0, d1) -> (0, 0)>
module attributes {stable_mosaic.version = 14 : i64} {
  func.func @sc_a(%arg0: i32, %arg1: i32, %arg2: memref<1015808xi32, #tpu.memory_space<hbm>>, %arg3: memref<1015808xf32, #tpu.memory_space<hbm>>, %arg4: memref<2048xf32, #tpu.memory_space<hbm>>, %arg5: memref<32x1024xf32, #tpu.memory_space<hbm>>, %arg6: memref<65536xf32, #tpu.memory_space<vmem>>, %arg7: memref<8192xi32, #tpu.memory_space<vmem>>, %arg8: memref<8192xi32, #tpu.memory_space<vmem>>, %arg9: memref<8192xf32, #tpu.memory_space<vmem>>, %arg10: memref<8192xf32, #tpu.memory_space<vmem>>, %arg11: memref<1024xf32, #tpu.memory_space<vmem>>, %arg12: memref<64xf32, #tpu.memory_space<vmem>>, %arg13: memref<!tpu.dma_semaphore, #tpu.memory_space<semaphore_mem>>, %arg14: memref<!tpu.dma_semaphore, #tpu.memory_space<semaphore_mem>>, %arg15: memref<!tpu.dma_semaphore, #tpu.memory_space<semaphore_mem>>, %arg16: memref<!tpu.dma_semaphore, #tpu.memory_space<semaphore_mem>>) attributes {dimension_semantics = [#tpu.dimension_semantics<core_parallel>, #tpu.dimension_semantics<subcore_parallel>], iteration_bounds = array<i64: 2, 16>, scalar_prefetch = 0 : i64, scratch_operands = 11 : i64, tpu.core_type = #tpu.core_type<sc_vector_subcore>, window_params = [{transform_indices = #map}, {transform_indices = #map}, {transform_indices = #map}, {transform_indices = #map1}]} {
    %mul3A = arith.constant 16 : i32
    %mul3A_0 = arith.muli %arg0, %mul3A : i32
    %add3A = arith.addi %mul3A_0, %arg1 : i32
    %mul3A_1 = arith.constant 65536 : i32
    %mul3A_2 = arith.muli %add3A, %mul3A_1 : i32
    %iota3A = tpu.iota {dimensions = array<i32: 0>} : vector<16xi32>
    %broadcast_in_dim3A = arith.constant -9.999000e+03 : f32
    %broadcast_in_dim3A_3 = vector.broadcast %broadcast_in_dim3A : f32 to vector<16xf32>
    %scan3A = arith.constant 0 : i32
    %scan3A_4 = arith.constant 0 : i32
    %scan3A_5 = arith.constant 4096 : i32
    %scan3A_6 = arith.addi %scan3A_4, %scan3A_5 : i32
    %scan3A_7 = arith.constant 1 : i32
    %scan3A_8 = scf.for %scan3A_48 = %scan3A_4 to %scan3A_6 step %scan3A_7 iter_args(%scan3A_49 = %scan3A) -> (i32)  : i32 {
      %mul3A_50 = arith.constant 16 : i32
      %mul3A_51 = arith.muli %scan3A_48, %mul3A_50 : i32
      %swap3A = arith.index_cast %mul3A_51 : i32 to index
      %swap3A_52 = tpu.vector_load %arg6[%swap3A] {strides = array<i32>} : memref<65536xf32, #tpu.memory_space<vmem>>, vector<16xf32>,
      tpu.vector_store %arg6[%swap3A], %broadcast_in_dim3A_3 {strides = array<i32>} : memref<65536xf32, #tpu.memory_space<vmem>>, vector<16xf32>,
      %scan3A_53 = arith.constant 0 : i32
      scf.yield %scan3A_53 : i32
    }
    %scan3A_9 = arith.constant 4096 : i32
    %dma_start3A = arith.constant 0 : i32
    %dma_start3A_10 = tpu.memref_slice %arg2[%dma_start3A] : memref<1015808xi32, #tpu.memory_space<hbm>> -> memref<8192xi32, #tpu.memory_space<hbm>>
    %dma_start3A_11 = arith.constant 0 : i32
    %dma_start3A_12 = tpu.memref_slice %arg2[%dma_start3A_11] : memref<1015808xi32, #tpu.memory_space<hbm>> -> memref<8192xi32, #tpu.memory_space<hbm>>
    tpu.enqueue_dma source(%dma_start3A_12 : memref<8192xi32, #tpu.memory_space<hbm>>) target(%arg7 : memref<8192xi32, #tpu.memory_space<vmem>>) target_semaphore(%arg13 : memref<!tpu.dma_semaphore, #tpu.memory_space<semaphore_mem>>)
    %dma_start3A_13 = arith.constant 0 : i32
    %dma_start3A_14 = tpu.memref_slice %arg3[%dma_start3A_13] : memref<1015808xf32, #tpu.memory_space<hbm>> -> memref<8192xf32, #tpu.memory_space<hbm>>
    %dma_start3A_15 = arith.constant 0 : i32
    %dma_start3A_16 = tpu.memref_slice %arg3[%dma_start3A_15] : memref<1015808xf32, #tpu.memory_space<hbm>> -> memref<8192xf32, #tpu.memory_space<hbm>>
    tpu.enqueue_dma source(%dma_start3A_16 : memref<8192xf32, #tpu.memory_space<hbm>>) target(%arg9 : memref<8192xf32, #tpu.memory_space<vmem>>) target_semaphore(%arg15 : memref<!tpu.dma_semaphore, #tpu.memory_space<semaphore_mem>>)
    %dma_start3A_17 = arith.constant 8192 : i32
    %dma_start3A_18 = tpu.memref_slice %arg2[%dma_start3A_17] : memref<1015808xi32, #tpu.memory_space<hbm>> -> memref<8192xi32, #tpu.memory_space<hbm>>
    %dma_start3A_19 = arith.constant 8192 : i32
    %dma_start3A_20 = tpu.memref_slice %arg2[%dma_start3A_19] : memref<1015808xi32, #tpu.memory_space<hbm>> -> memref<8192xi32, #tpu.memory_space<hbm>>
    tpu.enqueue_dma source(%dma_start3A_20 : memref<8192xi32, #tpu.memory_space<hbm>>) target(%arg8 : memref<8192xi32, #tpu.memory_space<vmem>>) target_semaphore(%arg14 : memref<!tpu.dma_semaphore, #tpu.memory_space<semaphore_mem>>)
    %dma_start3A_21 = arith.constant 8192 : i32
    %dma_start3A_22 = tpu.memref_slice %arg3[%dma_start3A_21] : memref<1015808xf32, #tpu.memory_space<hbm>> -> memref<8192xf32, #tpu.memory_space<hbm>>
    %dma_start3A_23 = arith.constant 8192 : i32
    %dma_start3A_24 = tpu.memref_slice %arg3[%dma_start3A_23] : memref<1015808xf32, #tpu.memory_space<hbm>> -> memref<8192xf32, #tpu.memory_space<hbm>>
    tpu.enqueue_dma source(%dma_start3A_24 : memref<8192xf32, #tpu.memory_space<hbm>>) target(%arg10 : memref<8192xf32, #tpu.memory_space<vmem>>) target_semaphore(%arg16 : memref<!tpu.dma_semaphore, #tpu.memory_space<semaphore_mem>>)
    %scan3A_25 = arith.constant 0 : i32
    %scan3A_26 = arith.constant 0 : i32
    %scan3A_27 = arith.constant 62 : i32
    %scan3A_28 = arith.addi %scan3A_26, %scan3A_27 : i32
    %scan3A_29 = arith.constant 1 : i32
    %scan3A_30 = scf.for %scan3A_48 = %scan3A_26 to %scan3A_28 step %scan3A_29 iter_args(%scan3A_49 = %scan3A_25) -> (i32)  : i32 {
      %mul3A_50 = arith.constant 2 : i32
      %mul3A_51 = arith.muli %scan3A_48, %mul3A_50 : i32
      %add3A_52 = arith.constant 0 : i32
      %add3A_53 = arith.addi %mul3A_51, %add3A_52 : i32
      %mul3A_54 = arith.constant 8192 : i32
      %mul3A_55 = arith.muli %add3A_53, %mul3A_54 : i32
      %dma_wait3A = tpu.memref_slice %arg2[%mul3A_55] : memref<1015808xi32, #tpu.memory_space<hbm>> -> memref<8192xi32, #tpu.memory_space<hbm>>
      %dma_wait3A_56 = tpu.memref_slice %arg2[%mul3A_55] : memref<1015808xi32, #tpu.memory_space<hbm>> -> memref<8192xi32, #tpu.memory_space<hbm>>
      tpu.wait_dma2 semaphore(%arg13 : memref<!tpu.dma_semaphore, #tpu.memory_space<semaphore_mem>>) src(%dma_wait3A_56 : memref<8192xi32, #tpu.memory_space<hbm>>) dst(%arg7 : memref<8192xi32, #tpu.memory_space<vmem>>)
      %mul3A_57 = arith.constant 8192 : i32
      %mul3A_58 = arith.muli %add3A_53, %mul3A_57 : i32
      %dma_wait3A_59 = tpu.memref_slice %arg3[%mul3A_58] : memref<1015808xf32, #tpu.memory_space<hbm>> -> memref<8192xf32, #tpu.memory_space<hbm>>
      %dma_wait3A_60 = tpu.memref_slice %arg3[%mul3A_58] : memref<1015808xf32, #tpu.memory_space<hbm>> -> memref<8192xf32, #tpu.memory_space<hbm>>
      tpu.wait_dma2 semaphore(%arg15 : memref<!tpu.dma_semaphore, #tpu.memory_space<semaphore_mem>>) src(%dma_wait3A_60 : memref<8192xf32, #tpu.memory_space<hbm>>) dst(%arg9 : memref<8192xf32, #tpu.memory_space<vmem>>)
      %scan3A_61 = arith.constant 0 : i32
      %scan3A_62 = arith.constant 0 : i32
      %scan3A_63 = arith.constant 64 : i32
      %scan3A_64 = arith.addi %scan3A_62, %scan3A_63 : i32
      %scan3A_65 = arith.constant 1 : i32
      %scan3A_66 = scf.for %scan3A_99 = %scan3A_62 to %scan3A_64 step %scan3A_65 iter_args(%scan3A_100 = %scan3A_61) -> (i32)  : i32 {
        %mul3A_101 = arith.constant 8 : i32
        %mul3A_102 = arith.muli %scan3A_99, %mul3A_101 : i32
        %add3A_103 = arith.constant 0 : i32
        %add3A_104 = arith.addi %mul3A_102, %add3A_103 : i32
        %mul3A_105 = arith.constant 16 : i32
        %mul3A_106 = arith.muli %add3A_104, %mul3A_105 : i32
        %get3A = arith.index_cast %mul3A_106 : i32 to index
        %get3A_107 = tpu.vector_load %arg7[%get3A] {strides = array<i32>} : memref<8192xi32, #tpu.memory_space<vmem>>, vector<16xi32>,
        %mul3A_108 = arith.constant 16 : i32
        %mul3A_109 = arith.muli %add3A_104, %mul3A_108 : i32
        %get3A_110 = arith.index_cast %mul3A_109 : i32 to index
        %get3A_111 = tpu.vector_load %arg9[%get3A_110] {strides = array<i32>} : memref<8192xf32, #tpu.memory_space<vmem>>, vector<16xf32>,
        %sub3A = vector.broadcast %mul3A_2 : i32 to vector<16xi32>
        %sub3A_112 = arith.subi %get3A_107, %sub3A : vector<16xi32>
        %lt3A_113 = arith.constant 65536 : i32
        %lt3A_114 = vector.broadcast %lt3A_113 : i32 to vector<16xi32>
        %lt3A_115 = arith.cmpi ult, %sub3A_112, %lt3A_114 : vector<16xi32>
        tpu.vector_store_idx %arg6[%sub3A_112], %get3A_111 masked %lt3A_115 : memref<65536xf32, #tpu.memory_space<vmem>>[vector<16xi32>], vector<16xf32>, vector<16xi1>
        %mul3A_116 = arith.constant 8 : i32
        %mul3A_117 = arith.muli %scan3A_99, %mul3A_116 : i32
        %add3A_118 = arith.constant 1 : i32
        %add3A_119 = arith.addi %mul3A_117, %add3A_118 : i32
        %mul3A_120 = arith.constant 16 : i32
        %mul3A_121 = arith.muli %add3A_119, %mul3A_120 : i32
        %get3A_122 = arith.index_cast %mul3A_121 : i32 to index
        %get3A_123 = tpu.vector_load %arg7[%get3A_122] {strides = array<i32>} : memref<8192xi32, #tpu.memory_space<vmem>>, vector<16xi32>,
        %mul3A_124 = arith.constant 16 : i32
        %mul3A_125 = arith.muli %add3A_119, %mul3A_124 : i32
        %get3A_126 = arith.index_cast %mul3A_125 : i32 to index
        %get3A_127 = tpu.vector_load %arg9[%get3A_126] {strides = array<i32>} : memref<8192xf32, #tpu.memory_space<vmem>>, vector<16xf32>,
        %sub3A_128 = vector.broadcast %mul3A_2 : i32 to vector<16xi32>
        %sub3A_129 = arith.subi %get3A_123, %sub3A_128 : vector<16xi32>
        %lt3A_130 = arith.constant 65536 : i32
        %lt3A_131 = vector.broadcast %lt3A_130 : i32 to vector<16xi32>
        %lt3A_132 = arith.cmpi ult, %sub3A_129, %lt3A_131 : vector<16xi32>
        tpu.vector_store_idx %arg6[%sub3A_129], %get3A_127 masked %lt3A_132 : memref<65536xf32, #tpu.memory_space<vmem>>[vector<16xi32>], vector<16xf32>, vector<16xi1>
        %mul3A_133 = arith.constant 8 : i32
        %mul3A_134 = arith.muli %scan3A_99, %mul3A_133 : i32
        %add3A_135 = arith.constant 2 : i32
        %add3A_136 = arith.addi %mul3A_134, %add3A_135 : i32
        %mul3A_137 = arith.constant 16 : i32
        %mul3A_138 = arith.muli %add3A_136, %mul3A_137 : i32
        %get3A_139 = arith.index_cast %mul3A_138 : i32 to index
        %get3A_140 = tpu.vector_load %arg7[%get3A_139] {strides = array<i32>} : memref<8192xi32, #tpu.memory_space<vmem>>, vector<16xi32>,
        %mul3A_141 = arith.constant 16 : i32
        %mul3A_142 = arith.muli %add3A_136, %mul3A_141 : i32
        %get3A_143 = arith.index_cast %mul3A_142 : i32 to index
        %get3A_144 = tpu.vector_load %arg9[%get3A_143] {strides = array<i32>} : memref<8192xf32, #tpu.memory_space<vmem>>, vector<16xf32>,
        %sub3A_145 = vector.broadcast %mul3A_2 : i32 to vector<16xi32>
        %sub3A_146 = arith.subi %get3A_140, %sub3A_145 : vector<16xi32>
        %lt3A_147 = arith.constant 65536 : i32
        %lt3A_148 = vector.broadcast %lt3A_147 : i32 to vector<16xi32>
        %lt3A_149 = arith.cmpi ult, %sub3A_146, %lt3A_148 : vector<16xi32>
        tpu.vector_store_idx %arg6[%sub3A_146], %get3A_144 masked %lt3A_149 : memref<65536xf32, #tpu.memory_space<vmem>>[vector<16xi32>], vector<16xf32>, vector<16xi1>
        %mul3A_150 = arith.constant 8 : i32
        %mul3A_151 = arith.muli %scan3A_99, %mul3A_150 : i32
        %add3A_152 = arith.constant 3 : i32
        %add3A_153 = arith.addi %mul3A_151, %add3A_152 : i32
        %mul3A_154 = arith.constant 16 : i32
        %mul3A_155 = arith.muli %add3A_153, %mul3A_154 : i32
        %get3A_156 = arith.index_cast %mul3A_155 : i32 to index
        %get3A_157 = tpu.vector_load %arg7[%get3A_156] {strides = array<i32>} : memref<8192xi32, #tpu.memory_space<vmem>>, vector<16xi32>,
        %mul3A_158 = arith.constant 16 : i32
        %mul3A_159 = arith.muli %add3A_153, %mul3A_158 : i32
        %get3A_160 = arith.index_cast %mul3A_159 : i32 to index
        %get3A_161 = tpu.vector_load %arg9[%get3A_160] {strides = array<i32>} : memref<8192xf32, #tpu.memory_space<vmem>>, vector<16xf32>,
        %sub3A_162 = vector.broadcast %mul3A_2 : i32 to vector<16xi32>
        %sub3A_163 = arith.subi %get3A_157, %sub3A_162 : vector<16xi32>
        %lt3A_164 = arith.constant 65536 : i32
        %lt3A_165 = vector.broadcast %lt3A_164 : i32 to vector<16xi32>
        %lt3A_166 = arith.cmpi ult, %sub3A_163, %lt3A_165 : vector<16xi32>
        tpu.vector_store_idx %arg6[%sub3A_163], %get3A_161 masked %lt3A_166 : memref<65536xf32, #tpu.memory_space<vmem>>[vector<16xi32>], vector<16xf32>, vector<16xi1>
        %mul3A_167 = arith.constant 8 : i32
        %mul3A_168 = arith.muli %scan3A_99, %mul3A_167 : i32
        %add3A_169 = arith.constant 4 : i32
        %add3A_170 = arith.addi %mul3A_168, %add3A_169 : i32
        %mul3A_171 = arith.constant 16 : i32
        %mul3A_172 = arith.muli %add3A_170, %mul3A_171 : i32
        %get3A_173 = arith.index_cast %mul3A_172 : i32 to index
        %get3A_174 = tpu.vector_load %arg7[%get3A_173] {strides = array<i32>} : memref<8192xi32, #tpu.memory_space<vmem>>, vector<16xi32>,
        %mul3A_175 = arith.constant 16 : i32
        %mul3A_176 = arith.muli %add3A_170, %mul3A_175 : i32
        %get3A_177 = arith.index_cast %mul3A_176 : i32 to index
        %get3A_178 = tpu.vector_load %arg9[%get3A_177] {strides = array<i32>} : memref<8192xf32, #tpu.memory_space<vmem>>, vector<16xf32>,
        %sub3A_179 = vector.broadcast %mul3A_2 : i32 to vector<16xi32>
        %sub3A_180 = arith.subi %get3A_174, %sub3A_179 : vector<16xi32>
        %lt3A_181 = arith.constant 65536 : i32
        %lt3A_182 = vector.broadcast %lt3A_181 : i32 to vector<16xi32>
        %lt3A_183 = arith.cmpi ult, %sub3A_180, %lt3A_182 : vector<16xi32>
        tpu.vector_store_idx %arg6[%sub3A_180], %get3A_178 masked %lt3A_183 : memref<65536xf32, #tpu.memory_space<vmem>>[vector<16xi32>], vector<16xf32>, vector<16xi1>
        %mul3A_184 = arith.constant 8 : i32
        %mul3A_185 = arith.muli %scan3A_99, %mul3A_184 : i32
        %add3A_186 = arith.constant 5 : i32
        %add3A_187 = arith.addi %mul3A_185, %add3A_186 : i32
        %mul3A_188 = arith.constant 16 : i32
        %mul3A_189 = arith.muli %add3A_187, %mul3A_188 : i32
        %get3A_190 = arith.index_cast %mul3A_189 : i32 to index
        %get3A_191 = tpu.vector_load %arg7[%get3A_190] {strides = array<i32>} : memref<8192xi32, #tpu.memory_space<vmem>>, vector<16xi32>,
        %mul3A_192 = arith.constant 16 : i32
        %mul3A_193 = arith.muli %add3A_187, %mul3A_192 : i32
        %get3A_194 = arith.index_cast %mul3A_193 : i32 to index
        %get3A_195 = tpu.vector_load %arg9[%get3A_194] {strides = array<i32>} : memref<8192xf32, #tpu.memory_space<vmem>>, vector<16xf32>,
        %sub3A_196 = vector.broadcast %mul3A_2 : i32 to vector<16xi32>
        %sub3A_197 = arith.subi %get3A_191, %sub3A_196 : vector<16xi32>
        %lt3A_198 = arith.constant 65536 : i32
        %lt3A_199 = vector.broadcast %lt3A_198 : i32 to vector<16xi32>
        %lt3A_200 = arith.cmpi ult, %sub3A_197, %lt3A_199 : vector<16xi32>
        tpu.vector_store_idx %arg6[%sub3A_197], %get3A_195 masked %lt3A_200 : memref<65536xf32, #tpu.memory_space<vmem>>[vector<16xi32>], vector<16xf32>, vector<16xi1>
        %mul3A_201 = arith.constant 8 : i32
        %mul3A_202 = arith.muli %scan3A_99, %mul3A_201 : i32
        %add3A_203 = arith.constant 6 : i32
        %add3A_204 = arith.addi %mul3A_202, %add3A_203 : i32
        %mul3A_205 = arith.constant 16 : i32
        %mul3A_206 = arith.muli %add3A_204, %mul3A_205 : i32
        %get3A_207 = arith.index_cast %mul3A_206 : i32 to index
        %get3A_208 = tpu.vector_load %arg7[%get3A_207] {strides = array<i32>} : memref<8192xi32, #tpu.memory_space<vmem>>, vector<16xi32>,
        %mul3A_209 = arith.constant 16 : i32
        %mul3A_210 = arith.muli %add3A_204, %mul3A_209 : i32
        %get3A_211 = arith.index_cast %mul3A_210 : i32 to index
        %get3A_212 = tpu.vector_load %arg9[%get3A_211] {strides = array<i32>} : memref<8192xf32, #tpu.memory_space<vmem>>, vector<16xf32>,
        %sub3A_213 = vector.broadcast %mul3A_2 : i32 to vector<16xi32>
        %sub3A_214 = arith.subi %get3A_208, %sub3A_213 : vector<16xi32>
        %lt3A_215 = arith.constant 65536 : i32
        %lt3A_216 = vector.broadcast %lt3A_215 : i32 to vector<16xi32>
        %lt3A_217 = arith.cmpi ult, %sub3A_214, %lt3A_216 : vector<16xi32>
        tpu.vector_store_idx %arg6[%sub3A_214], %get3A_212 masked %lt3A_217 : memref<65536xf32, #tpu.memory_space<vmem>>[vector<16xi32>], vector<16xf32>, vector<16xi1>
        %mul3A_218 = arith.constant 8 : i32
        %mul3A_219 = arith.muli %scan3A_99, %mul3A_218 : i32
        %add3A_220 = arith.constant 7 : i32
        %add3A_221 = arith.addi %mul3A_219, %add3A_220 : i32
        %mul3A_222 = arith.constant 16 : i32
        %mul3A_223 = arith.muli %add3A_221, %mul3A_222 : i32
        %get3A_224 = arith.index_cast %mul3A_223 : i32 to index
        %get3A_225 = tpu.vector_load %arg7[%get3A_224] {strides = array<i32>} : memref<8192xi32, #tpu.memory_space<vmem>>, vector<16xi32>,
        %mul3A_226 = arith.constant 16 : i32
        %mul3A_227 = arith.muli %add3A_221, %mul3A_226 : i32
        %get3A_228 = arith.index_cast %mul3A_227 : i32 to index
        %get3A_229 = tpu.vector_load %arg9[%get3A_228] {strides = array<i32>} : memref<8192xf32, #tpu.memory_space<vmem>>, vector<16xf32>,
        %sub3A_230 = vector.broadcast %mul3A_2 : i32 to vector<16xi32>
        %sub3A_231 = arith.subi %get3A_225, %sub3A_230 : vector<16xi32>
        %lt3A_232 = arith.constant 65536 : i32
        %lt3A_233 = vector.broadcast %lt3A_232 : i32 to vector<16xi32>
        %lt3A_234 = arith.cmpi ult, %sub3A_231, %lt3A_233 : vector<16xi32>
        tpu.vector_store_idx %arg6[%sub3A_231], %get3A_229 masked %lt3A_234 : memref<65536xf32, #tpu.memory_space<vmem>>[vector<16xi32>], vector<16xf32>, vector<16xi1>
        %scan3A_235 = arith.constant 0 : i32
        scf.yield %scan3A_235 : i32
      }
      %scan3A_67 = arith.constant 64 : i32
      %add3A_68 = arith.constant 2 : i32
      %add3A_69 = arith.addi %add3A_53, %add3A_68 : i32
      %lt3A = arith.constant 124 : i32
      %lt3A_70 = arith.cmpi slt, %add3A_69, %lt3A : i32
      %convert_element_type3A = arith.extui %lt3A_70 : i1 to i32
      %cond3A = arith.constant 0 : i32
      %cond3A_71 = arith.cmpi ne, %convert_element_type3A, %cond3A : i32
      scf.if %cond3A_71 {
        %add3A_99 = arith.constant 2 : i32
        %add3A_100 = arith.addi %add3A_53, %add3A_99 : i32
        %mul3A_101 = arith.constant 8192 : i32
        %mul3A_102 = arith.muli %add3A_100, %mul3A_101 : i32
        %dma_start3A_103 = tpu.memref_slice %arg2[%mul3A_102] : memref<1015808xi32, #tpu.memory_space<hbm>> -> memref<8192xi32, #tpu.memory_space<hbm>>
        %dma_start3A_104 = tpu.memref_slice %arg2[%mul3A_102] : memref<1015808xi32, #tpu.memory_space<hbm>> -> memref<8192xi32, #tpu.memory_space<hbm>>
        tpu.enqueue_dma source(%dma_start3A_104 : memref<8192xi32, #tpu.memory_space<hbm>>) target(%arg7 : memref<8192xi32, #tpu.memory_space<vmem>>) target_semaphore(%arg13 : memref<!tpu.dma_semaphore, #tpu.memory_space<semaphore_mem>>)
        %add3A_105 = arith.constant 2 : i32
        %add3A_106 = arith.addi %add3A_53, %add3A_105 : i32
        %mul3A_107 = arith.constant 8192 : i32
        %mul3A_108 = arith.muli %add3A_106, %mul3A_107 : i32
        %dma_start3A_109 = tpu.memref_slice %arg3[%mul3A_108] : memref<1015808xf32, #tpu.memory_space<hbm>> -> memref<8192xf32, #tpu.memory_space<hbm>>
        %dma_start3A_110 = tpu.memref_slice %arg3[%mul3A_108] : memref<1015808xf32, #tpu.memory_space<hbm>> -> memref<8192xf32, #tpu.memory_space<hbm>>
        tpu.enqueue_dma source(%dma_start3A_110 : memref<8192xf32, #tpu.memory_space<hbm>>) target(%arg9 : memref<8192xf32, #tpu.memory_space<vmem>>) target_semaphore(%arg15 : memref<!tpu.dma_semaphore, #tpu.memory_space<semaphore_mem>>)
      } else {
      }
      %mul3A_72 = arith.constant 2 : i32
      %mul3A_73 = arith.muli %scan3A_48, %mul3A_72 : i32
      %add3A_74 = arith.constant 1 : i32
      %add3A_75 = arith.addi %mul3A_73, %add3A_74 : i32
      %mul3A_76 = arith.constant 8192 : i32
      %mul3A_77 = arith.muli %add3A_75, %mul3A_76 : i32
      %dma_wait3A_78 = tpu.memref_slice %arg2[%mul3A_77] : memref<1015808xi32, #tpu.memory_space<hbm>> -> memref<8192xi32, #tpu.memory_space<hbm>>
      %dma_wait3A_79 = tpu.memref_slice %arg2[%mul3A_77] : memref<1015808xi32, #tpu.memory_space<hbm>> -> memref<8192xi32, #tpu.memory_space<hbm>>
      tpu.wait_dma2 semaphore(%arg14 : memref<!tpu.dma_semaphore, #tpu.memory_space<semaphore_mem>>) src(%dma_wait3A_79 : memref<8192xi32, #tpu.memory_space<hbm>>) dst(%arg8 : memref<8192xi32, #tpu.memory_space<vmem>>)
      %mul3A_80 = arith.constant 8192 : i32
      %mul3A_81 = arith.muli %add3A_75, %mul3A_80 : i32
      %dma_wait3A_82 = tpu.memref_slice %arg3[%mul3A_81] : memref<1015808xf32, #tpu.memory_space<hbm>> -> memref<8192xf32, #tpu.memory_space<hbm>>
      %dma_wait3A_83 = tpu.memref_slice %arg3[%mul3A_81] : memref<1015808xf32, #tpu.memory_space<hbm>> -> memref<8192xf32, #tpu.memory_space<hbm>>
      tpu.wait_dma2 semaphore(%arg16 : memref<!tpu.dma_semaphore, #tpu.memory_space<semaphore_mem>>) src(%dma_wait3A_83 : memref<8192xf32, #tpu.memory_space<hbm>>) dst(%arg10 : memref<8192xf32, #tpu.memory_space<vmem>>)
      %scan3A_84 = arith.constant 0 : i32
      %scan3A_85 = arith.constant 0 : i32
      %scan3A_86 = arith.constant 64 : i32
      %scan3A_87 = arith.addi %scan3A_85, %scan3A_86 : i32
      %scan3A_88 = arith.constant 1 : i32
      %scan3A_89 = scf.for %scan3A_99 = %scan3A_85 to %scan3A_87 step %scan3A_88 iter_args(%scan3A_100 = %scan3A_84) -> (i32)  : i32 {
        %mul3A_101 = arith.constant 8 : i32
        %mul3A_102 = arith.muli %scan3A_99, %mul3A_101 : i32
        %add3A_103 = arith.constant 0 : i32
        %add3A_104 = arith.addi %mul3A_102, %add3A_103 : i32
        %mul3A_105 = arith.constant 16 : i32
        %mul3A_106 = arith.muli %add3A_104, %mul3A_105 : i32
        %get3A = arith.index_cast %mul3A_106 : i32 to index
        %get3A_107 = tpu.vector_load %arg8[%get3A] {strides = array<i32>} : memref<8192xi32, #tpu.memory_space<vmem>>, vector<16xi32>,
        %mul3A_108 = arith.constant 16 : i32
        %mul3A_109 = arith.muli %add3A_104, %mul3A_108 : i32
        %get3A_110 = arith.index_cast %mul3A_109 : i32 to index
        %get3A_111 = tpu.vector_load %arg10[%get3A_110] {strides = array<i32>} : memref<8192xf32, #tpu.memory_space<vmem>>, vector<16xf32>,
        %sub3A = vector.broadcast %mul3A_2 : i32 to vector<16xi32>
        %sub3A_112 = arith.subi %get3A_107, %sub3A : vector<16xi32>
        %lt3A_113 = arith.constant 65536 : i32
        %lt3A_114 = vector.broadcast %lt3A_113 : i32 to vector<16xi32>
        %lt3A_115 = arith.cmpi ult, %sub3A_112, %lt3A_114 : vector<16xi32>
        tpu.vector_store_idx %arg6[%sub3A_112], %get3A_111 masked %lt3A_115 : memref<65536xf32, #tpu.memory_space<vmem>>[vector<16xi32>], vector<16xf32>, vector<16xi1>
        %mul3A_116 = arith.constant 8 : i32
        %mul3A_117 = arith.muli %scan3A_99, %mul3A_116 : i32
        %add3A_118 = arith.constant 1 : i32
        %add3A_119 = arith.addi %mul3A_117, %add3A_118 : i32
        %mul3A_120 = arith.constant 16 : i32
        %mul3A_121 = arith.muli %add3A_119, %mul3A_120 : i32
        %get3A_122 = arith.index_cast %mul3A_121 : i32 to index
        %get3A_123 = tpu.vector_load %arg8[%get3A_122] {strides = array<i32>} : memref<8192xi32, #tpu.memory_space<vmem>>, vector<16xi32>,
        %mul3A_124 = arith.constant 16 : i32
        %mul3A_125 = arith.muli %add3A_119, %mul3A_124 : i32
        %get3A_126 = arith.index_cast %mul3A_125 : i32 to index
        %get3A_127 = tpu.vector_load %arg10[%get3A_126] {strides = array<i32>} : memref<8192xf32, #tpu.memory_space<vmem>>, vector<16xf32>,
        %sub3A_128 = vector.broadcast %mul3A_2 : i32 to vector<16xi32>
        %sub3A_129 = arith.subi %get3A_123, %sub3A_128 : vector<16xi32>
        %lt3A_130 = arith.constant 65536 : i32
        %lt3A_131 = vector.broadcast %lt3A_130 : i32 to vector<16xi32>
        %lt3A_132 = arith.cmpi ult, %sub3A_129, %lt3A_131 : vector<16xi32>
        tpu.vector_store_idx %arg6[%sub3A_129], %get3A_127 masked %lt3A_132 : memref<65536xf32, #tpu.memory_space<vmem>>[vector<16xi32>], vector<16xf32>, vector<16xi1>
        %mul3A_133 = arith.constant 8 : i32
        %mul3A_134 = arith.muli %scan3A_99, %mul3A_133 : i32
        %add3A_135 = arith.constant 2 : i32
        %add3A_136 = arith.addi %mul3A_134, %add3A_135 : i32
        %mul3A_137 = arith.constant 16 : i32
        %mul3A_138 = arith.muli %add3A_136, %mul3A_137 : i32
        %get3A_139 = arith.index_cast %mul3A_138 : i32 to index
        %get3A_140 = tpu.vector_load %arg8[%get3A_139] {strides = array<i32>} : memref<8192xi32, #tpu.memory_space<vmem>>, vector<16xi32>,
        %mul3A_141 = arith.constant 16 : i32
        %mul3A_142 = arith.muli %add3A_136, %mul3A_141 : i32
        %get3A_143 = arith.index_cast %mul3A_142 : i32 to index
        %get3A_144 = tpu.vector_load %arg10[%get3A_143] {strides = array<i32>} : memref<8192xf32, #tpu.memory_space<vmem>>, vector<16xf32>,
        %sub3A_145 = vector.broadcast %mul3A_2 : i32 to vector<16xi32>
        %sub3A_146 = arith.subi %get3A_140, %sub3A_145 : vector<16xi32>
        %lt3A_147 = arith.constant 65536 : i32
        %lt3A_148 = vector.broadcast %lt3A_147 : i32 to vector<16xi32>
        %lt3A_149 = arith.cmpi ult, %sub3A_146, %lt3A_148 : vector<16xi32>
        tpu.vector_store_idx %arg6[%sub3A_146], %get3A_144 masked %lt3A_149 : memref<65536xf32, #tpu.memory_space<vmem>>[vector<16xi32>], vector<16xf32>, vector<16xi1>
        %mul3A_150 = arith.constant 8 : i32
        %mul3A_151 = arith.muli %scan3A_99, %mul3A_150 : i32
        %add3A_152 = arith.constant 3 : i32
        %add3A_153 = arith.addi %mul3A_151, %add3A_152 : i32
        %mul3A_154 = arith.constant 16 : i32
        %mul3A_155 = arith.muli %add3A_153, %mul3A_154 : i32
        %get3A_156 = arith.index_cast %mul3A_155 : i32 to index
        %get3A_157 = tpu.vector_load %arg8[%get3A_156] {strides = array<i32>} : memref<8192xi32, #tpu.memory_space<vmem>>, vector<16xi32>,
        %mul3A_158 = arith.constant 16 : i32
        %mul3A_159 = arith.muli %add3A_153, %mul3A_158 : i32
        %get3A_160 = arith.index_cast %mul3A_159 : i32 to index
        %get3A_161 = tpu.vector_load %arg10[%get3A_160] {strides = array<i32>} : memref<8192xf32, #tpu.memory_space<vmem>>, vector<16xf32>,
        %sub3A_162 = vector.broadcast %mul3A_2 : i32 to vector<16xi32>
        %sub3A_163 = arith.subi %get3A_157, %sub3A_162 : vector<16xi32>
        %lt3A_164 = arith.constant 65536 : i32
        %lt3A_165 = vector.broadcast %lt3A_164 : i32 to vector<16xi32>
        %lt3A_166 = arith.cmpi ult, %sub3A_163, %lt3A_165 : vector<16xi32>
        tpu.vector_store_idx %arg6[%sub3A_163], %get3A_161 masked %lt3A_166 : memref<65536xf32, #tpu.memory_space<vmem>>[vector<16xi32>], vector<16xf32>, vector<16xi1>
        %mul3A_167 = arith.constant 8 : i32
        %mul3A_168 = arith.muli %scan3A_99, %mul3A_167 : i32
        %add3A_169 = arith.constant 4 : i32
        %add3A_170 = arith.addi %mul3A_168, %add3A_169 : i32
        %mul3A_171 = arith.constant 16 : i32
        %mul3A_172 = arith.muli %add3A_170, %mul3A_171 : i32
        %get3A_173 = arith.index_cast %mul3A_172 : i32 to index
        %get3A_174 = tpu.vector_load %arg8[%get3A_173] {strides = array<i32>} : memref<8192xi32, #tpu.memory_space<vmem>>, vector<16xi32>,
        %mul3A_175 = arith.constant 16 : i32
        %mul3A_176 = arith.muli %add3A_170, %mul3A_175 : i32
        %get3A_177 = arith.index_cast %mul3A_176 : i32 to index
        %get3A_178 = tpu.vector_load %arg10[%get3A_177] {strides = array<i32>} : memref<8192xf32, #tpu.memory_space<vmem>>, vector<16xf32>,
        %sub3A_179 = vector.broadcast %mul3A_2 : i32 to vector<16xi32>
        %sub3A_180 = arith.subi %get3A_174, %sub3A_179 : vector<16xi32>
        %lt3A_181 = arith.constant 65536 : i32
        %lt3A_182 = vector.broadcast %lt3A_181 : i32 to vector<16xi32>
        %lt3A_183 = arith.cmpi ult, %sub3A_180, %lt3A_182 : vector<16xi32>
        tpu.vector_store_idx %arg6[%sub3A_180], %get3A_178 masked %lt3A_183 : memref<65536xf32, #tpu.memory_space<vmem>>[vector<16xi32>], vector<16xf32>, vector<16xi1>
        %mul3A_184 = arith.constant 8 : i32
        %mul3A_185 = arith.muli %scan3A_99, %mul3A_184 : i32
        %add3A_186 = arith.constant 5 : i32
        %add3A_187 = arith.addi %mul3A_185, %add3A_186 : i32
        %mul3A_188 = arith.constant 16 : i32
        %mul3A_189 = arith.muli %add3A_187, %mul3A_188 : i32
        %get3A_190 = arith.index_cast %mul3A_189 : i32 to index
        %get3A_191 = tpu.vector_load %arg8[%get3A_190] {strides = array<i32>} : memref<8192xi32, #tpu.memory_space<vmem>>, vector<16xi32>,
        %mul3A_192 = arith.constant 16 : i32
        %mul3A_193 = arith.muli %add3A_187, %mul3A_192 : i32
        %get3A_194 = arith.index_cast %mul3A_193 : i32 to index
        %get3A_195 = tpu.vector_load %arg10[%get3A_194] {strides = array<i32>} : memref<8192xf32, #tpu.memory_space<vmem>>, vector<16xf32>,
        %sub3A_196 = vector.broadcast %mul3A_2 : i32 to vector<16xi32>
        %sub3A_197 = arith.subi %get3A_191, %sub3A_196 : vector<16xi32>
        %lt3A_198 = arith.constant 65536 : i32
        %lt3A_199 = vector.broadcast %lt3A_198 : i32 to vector<16xi32>
        %lt3A_200 = arith.cmpi ult, %sub3A_197, %lt3A_199 : vector<16xi32>
        tpu.vector_store_idx %arg6[%sub3A_197], %get3A_195 masked %lt3A_200 : memref<65536xf32, #tpu.memory_space<vmem>>[vector<16xi32>], vector<16xf32>, vector<16xi1>
        %mul3A_201 = arith.constant 8 : i32
        %mul3A_202 = arith.muli %scan3A_99, %mul3A_201 : i32
        %add3A_203 = arith.constant 6 : i32
        %add3A_204 = arith.addi %mul3A_202, %add3A_203 : i32
        %mul3A_205 = arith.constant 16 : i32
        %mul3A_206 = arith.muli %add3A_204, %mul3A_205 : i32
        %get3A_207 = arith.index_cast %mul3A_206 : i32 to index
        %get3A_208 = tpu.vector_load %arg8[%get3A_207] {strides = array<i32>} : memref<8192xi32, #tpu.memory_space<vmem>>, vector<16xi32>,
        %mul3A_209 = arith.constant 16 : i32
        %mul3A_210 = arith.muli %add3A_204, %mul3A_209 : i32
        %get3A_211 = arith.index_cast %mul3A_210 : i32 to index
        %get3A_212 = tpu.vector_load %arg10[%get3A_211] {strides = array<i32>} : memref<8192xf32, #tpu.memory_space<vmem>>, vector<16xf32>,
        %sub3A_213 = vector.broadcast %mul3A_2 : i32 to vector<16xi32>
        %sub3A_214 = arith.subi %get3A_208, %sub3A_213 : vector<16xi32>
        %lt3A_215 = arith.constant 65536 : i32
        %lt3A_216 = vector.broadcast %lt3A_215 : i32 to vector<16xi32>
        %lt3A_217 = arith.cmpi ult, %sub3A_214, %lt3A_216 : vector<16xi32>
        tpu.vector_store_idx %arg6[%sub3A_214], %get3A_212 masked %lt3A_217 : memref<65536xf32, #tpu.memory_space<vmem>>[vector<16xi32>], vector<16xf32>, vector<16xi1>
        %mul3A_218 = arith.constant 8 : i32
        %mul3A_219 = arith.muli %scan3A_99, %mul3A_218 : i32
        %add3A_220 = arith.constant 7 : i32
        %add3A_221 = arith.addi %mul3A_219, %add3A_220 : i32
        %mul3A_222 = arith.constant 16 : i32
        %mul3A_223 = arith.muli %add3A_221, %mul3A_222 : i32
        %get3A_224 = arith.index_cast %mul3A_223 : i32 to index
        %get3A_225 = tpu.vector_load %arg8[%get3A_224] {strides = array<i32>} : memref<8192xi32, #tpu.memory_space<vmem>>, vector<16xi32>,
        %mul3A_226 = arith.constant 16 : i32
        %mul3A_227 = arith.muli %add3A_221, %mul3A_226 : i32
        %get3A_228 = arith.index_cast %mul3A_227 : i32 to index
        %get3A_229 = tpu.vector_load %arg10[%get3A_228] {strides = array<i32>} : memref<8192xf32, #tpu.memory_space<vmem>>, vector<16xf32>,
        %sub3A_230 = vector.broadcast %mul3A_2 : i32 to vector<16xi32>
        %sub3A_231 = arith.subi %get3A_225, %sub3A_230 : vector<16xi32>
        %lt3A_232 = arith.constant 65536 : i32
        %lt3A_233 = vector.broadcast %lt3A_232 : i32 to vector<16xi32>
        %lt3A_234 = arith.cmpi ult, %sub3A_231, %lt3A_233 : vector<16xi32>
        tpu.vector_store_idx %arg6[%sub3A_231], %get3A_229 masked %lt3A_234 : memref<65536xf32, #tpu.memory_space<vmem>>[vector<16xi32>], vector<16xf32>, vector<16xi1>
        %scan3A_235 = arith.constant 0 : i32
        scf.yield %scan3A_235 : i32
      }
      %scan3A_90 = arith.constant 64 : i32
      %add3A_91 = arith.constant 2 : i32
      %add3A_92 = arith.addi %add3A_75, %add3A_91 : i32
      %lt3A_93 = arith.constant 124 : i32
      %lt3A_94 = arith.cmpi slt, %add3A_92, %lt3A_93 : i32
      %convert_element_type3A_95 = arith.extui %lt3A_94 : i1 to i32
      %cond3A_96 = arith.constant 0 : i32
      %cond3A_97 = arith.cmpi ne, %convert_element_type3A_95, %cond3A_96 : i32
      scf.if %cond3A_97 {
        %add3A_99 = arith.constant 2 : i32
        %add3A_100 = arith.addi %add3A_75, %add3A_99 : i32
        %mul3A_101 = arith.constant 8192 : i32
        %mul3A_102 = arith.muli %add3A_100, %mul3A_101 : i32
        %dma_start3A_103 = tpu.memref_slice %arg2[%mul3A_102] : memref<1015808xi32, #tpu.memory_space<hbm>> -> memref<8192xi32, #tpu.memory_space<hbm>>
        %dma_start3A_104 = tpu.memref_slice %arg2[%mul3A_102] : memref<1015808xi32, #tpu.memory_space<hbm>> -> memref<8192xi32, #tpu.memory_space<hbm>>
        tpu.enqueue_dma source(%dma_start3A_104 : memref<8192xi32, #tpu.memory_space<hbm>>) target(%arg8 : memref<8192xi32, #tpu.memory_space<vmem>>) target_semaphore(%arg14 : memref<!tpu.dma_semaphore, #tpu.memory_space<semaphore_mem>>)
        %add3A_105 = arith.constant 2 : i32
        %add3A_106 = arith.addi %add3A_75, %add3A_105 : i32
        %mul3A_107 = arith.constant 8192 : i32
        %mul3A_108 = arith.muli %add3A_106, %mul3A_107 : i32
        %dma_start3A_109 = tpu.memref_slice %arg3[%mul3A_108] : memref<1015808xf32, #tpu.memory_space<hbm>> -> memref<8192xf32, #tpu.memory_space<hbm>>
        %dma_start3A_110 = tpu.memref_slice %arg3[%mul3A_108] : memref<1015808xf32, #tpu.memory_space<hbm>> -> memref<8192xf32, #tpu.memory_space<hbm>>
        tpu.enqueue_dma source(%dma_start3A_110 : memref<8192xf32, #tpu.memory_space<hbm>>) target(%arg10 : memref<8192xf32, #tpu.memory_space<vmem>>) target_semaphore(%arg16 : memref<!tpu.dma_semaphore, #tpu.memory_space<semaphore_mem>>)
      } else {
      }
      %scan3A_98 = arith.constant 0 : i32
      scf.yield %scan3A_98 : i32
    }
    %scan3A_31 = arith.constant 62 : i32
    %scan3A_32 = arith.constant 0 : i32
    %scan3A_33 = arith.constant 0 : i32
    %scan3A_34 = arith.constant 64 : i32
    %scan3A_35 = arith.addi %scan3A_33, %scan3A_34 : i32
    %scan3A_36 = arith.constant 1 : i32
    %scan3A_37 = scf.for %scan3A_48 = %scan3A_33 to %scan3A_35 step %scan3A_36 iter_args(%scan3A_49 = %scan3A_32) -> (i32)  : i32 {
      %mul3A_50 = arith.constant 16 : i32
      %mul3A_51 = arith.muli %scan3A_48, %mul3A_50 : i32
      %swap3A = arith.index_cast %mul3A_51 : i32 to index
      %swap3A_52 = tpu.vector_load %arg11[%swap3A] {strides = array<i32>} : memref<1024xf32, #tpu.memory_space<vmem>>, vector<16xf32>,
      tpu.vector_store %arg11[%swap3A], %broadcast_in_dim3A_3 {strides = array<i32>} : memref<1024xf32, #tpu.memory_space<vmem>>, vector<16xf32>,
      %scan3A_53 = arith.constant 0 : i32
      scf.yield %scan3A_53 : i32
    }
    %scan3A_38 = arith.constant 64 : i32
    %scan3A_39 = arith.constant 0 : i32
    %scan3A_40 = arith.constant 0 : i32
    %scan3A_41 = arith.constant 64 : i32
    %scan3A_42 = arith.addi %scan3A_40, %scan3A_41 : i32
    %scan3A_43 = arith.constant 1 : i32
    %scan3A_44 = scf.for %scan3A_48 = %scan3A_40 to %scan3A_42 step %scan3A_43 iter_args(%scan3A_49 = %scan3A_39) -> (i32)  : i32 {
      %scan3A_50 = arith.constant 0 : i32
      %scan3A_51 = arith.constant 16 : i32
      %scan3A_52 = arith.addi %scan3A_50, %scan3A_51 : i32
      %scan3A_53 = arith.constant 1 : i32
      %scan3A_54 = scf.for %scan3A_64 = %scan3A_50 to %scan3A_52 step %scan3A_53 iter_args(%scan3A_65 = %broadcast_in_dim3A_3) -> (vector<16xf32>)  : i32 {
        %mul3A_66 = arith.constant 4 : i32
        %mul3A_67 = arith.muli %scan3A_64, %mul3A_66 : i32
        %add3A_68 = arith.constant 0 : i32
        %add3A_69 = arith.addi %mul3A_67, %add3A_68 : i32
        %mul3A_70 = arith.constant 1024 : i32
        %mul3A_71 = arith.muli %scan3A_48, %mul3A_70 : i32
        %mul3A_72 = arith.constant 16 : i32
        %mul3A_73 = arith.muli %add3A_69, %mul3A_72 : i32
        %add3A_74 = arith.addi %mul3A_71, %mul3A_73 : i32
        %get3A = arith.index_cast %add3A_74 : i32 to index
        %get3A_75 = tpu.vector_load %arg6[%get3A] {strides = array<i32>} : memref<65536xf32, #tpu.memory_space<vmem>>, vector<16xf32>,
        %mul3A_76 = arith.constant 16 : i32
        %mul3A_77 = arith.muli %add3A_69, %mul3A_76 : i32
        %get3A_78 = arith.index_cast %mul3A_77 : i32 to index
        %get3A_79 = tpu.vector_load %arg11[%get3A_78] {strides = array<i32>} : memref<1024xf32, #tpu.memory_space<vmem>>, vector<16xf32>,
        %max3A = arith.maximumf %get3A_79, %get3A_75 : vector<16xf32>
        %mul3A_80 = arith.constant 16 : i32
        %mul3A_81 = arith.muli %add3A_69, %mul3A_80 : i32
        %swap3A = arith.index_cast %mul3A_81 : i32 to index
        %swap3A_82 = tpu.vector_load %arg11[%swap3A] {strides = array<i32>} : memref<1024xf32, #tpu.memory_space<vmem>>, vector<16xf32>,
        tpu.vector_store %arg11[%swap3A], %max3A {strides = array<i32>} : memref<1024xf32, #tpu.memory_space<vmem>>, vector<16xf32>,
        %mul3A_83 = arith.constant 4 : i32
        %mul3A_84 = arith.muli %scan3A_64, %mul3A_83 : i32
        %add3A_85 = arith.constant 1 : i32
        %add3A_86 = arith.addi %mul3A_84, %add3A_85 : i32
        %mul3A_87 = arith.constant 1024 : i32
        %mul3A_88 = arith.muli %scan3A_48, %mul3A_87 : i32
        %mul3A_89 = arith.constant 16 : i32
        %mul3A_90 = arith.muli %add3A_86, %mul3A_89 : i32
        %add3A_91 = arith.addi %mul3A_88, %mul3A_90 : i32
        %get3A_92 = arith.index_cast %add3A_91 : i32 to index
        %get3A_93 = tpu.vector_load %arg6[%get3A_92] {strides = array<i32>} : memref<65536xf32, #tpu.memory_space<vmem>>, vector<16xf32>,
        %mul3A_94 = arith.constant 16 : i32
        %mul3A_95 = arith.muli %add3A_86, %mul3A_94 : i32
        %get3A_96 = arith.index_cast %mul3A_95 : i32 to index
        %get3A_97 = tpu.vector_load %arg11[%get3A_96] {strides = array<i32>} : memref<1024xf32, #tpu.memory_space<vmem>>, vector<16xf32>,
        %max3A_98 = arith.maximumf %get3A_97, %get3A_93 : vector<16xf32>
        %mul3A_99 = arith.constant 16 : i32
        %mul3A_100 = arith.muli %add3A_86, %mul3A_99 : i32
        %swap3A_101 = arith.index_cast %mul3A_100 : i32 to index
        %swap3A_102 = tpu.vector_load %arg11[%swap3A_101] {strides = array<i32>} : memref<1024xf32, #tpu.memory_space<vmem>>, vector<16xf32>,
        tpu.vector_store %arg11[%swap3A_101], %max3A_98 {strides = array<i32>} : memref<1024xf32, #tpu.memory_space<vmem>>, vector<16xf32>,
        %mul3A_103 = arith.constant 4 : i32
        %mul3A_104 = arith.muli %scan3A_64, %mul3A_103 : i32
        %add3A_105 = arith.constant 2 : i32
        %add3A_106 = arith.addi %mul3A_104, %add3A_105 : i32
        %mul3A_107 = arith.constant 1024 : i32
        %mul3A_108 = arith.muli %scan3A_48, %mul3A_107 : i32
        %mul3A_109 = arith.constant 16 : i32
        %mul3A_110 = arith.muli %add3A_106, %mul3A_109 : i32
        %add3A_111 = arith.addi %mul3A_108, %mul3A_110 : i32
        %get3A_112 = arith.index_cast %add3A_111 : i32 to index
        %get3A_113 = tpu.vector_load %arg6[%get3A_112] {strides = array<i32>} : memref<65536xf32, #tpu.memory_space<vmem>>, vector<16xf32>,
        %mul3A_114 = arith.constant 16 : i32
        %mul3A_115 = arith.muli %add3A_106, %mul3A_114 : i32
        %get3A_116 = arith.index_cast %mul3A_115 : i32 to index
        %get3A_117 = tpu.vector_load %arg11[%get3A_116] {strides = array<i32>} : memref<1024xf32, #tpu.memory_space<vmem>>, vector<16xf32>,
        %max3A_118 = arith.maximumf %get3A_117, %get3A_113 : vector<16xf32>
        %mul3A_119 = arith.constant 16 : i32
        %mul3A_120 = arith.muli %add3A_106, %mul3A_119 : i32
        %swap3A_121 = arith.index_cast %mul3A_120 : i32 to index
        %swap3A_122 = tpu.vector_load %arg11[%swap3A_121] {strides = array<i32>} : memref<1024xf32, #tpu.memory_space<vmem>>, vector<16xf32>,
        tpu.vector_store %arg11[%swap3A_121], %max3A_118 {strides = array<i32>} : memref<1024xf32, #tpu.memory_space<vmem>>, vector<16xf32>,
        %mul3A_123 = arith.constant 4 : i32
        %mul3A_124 = arith.muli %scan3A_64, %mul3A_123 : i32
        %add3A_125 = arith.constant 3 : i32
        %add3A_126 = arith.addi %mul3A_124, %add3A_125 : i32
        %mul3A_127 = arith.constant 1024 : i32
        %mul3A_128 = arith.muli %scan3A_48, %mul3A_127 : i32
        %mul3A_129 = arith.constant 16 : i32
        %mul3A_130 = arith.muli %add3A_126, %mul3A_129 : i32
        %add3A_131 = arith.addi %mul3A_128, %mul3A_130 : i32
        %get3A_132 = arith.index_cast %add3A_131 : i32 to index
        %get3A_133 = tpu.vector_load %arg6[%get3A_132] {strides = array<i32>} : memref<65536xf32, #tpu.memory_space<vmem>>, vector<16xf32>,
        %mul3A_134 = arith.constant 16 : i32
        %mul3A_135 = arith.muli %add3A_126, %mul3A_134 : i32
        %get3A_136 = arith.index_cast %mul3A_135 : i32 to index
        %get3A_137 = tpu.vector_load %arg11[%get3A_136] {strides = array<i32>} : memref<1024xf32, #tpu.memory_space<vmem>>, vector<16xf32>,
        %max3A_138 = arith.maximumf %get3A_137, %get3A_133 : vector<16xf32>
        %mul3A_139 = arith.constant 16 : i32
        %mul3A_140 = arith.muli %add3A_126, %mul3A_139 : i32
        %swap3A_141 = arith.index_cast %mul3A_140 : i32 to index
        %swap3A_142 = tpu.vector_load %arg11[%swap3A_141] {strides = array<i32>} : memref<1024xf32, #tpu.memory_space<vmem>>, vector<16xf32>,
        tpu.vector_store %arg11[%swap3A_141], %max3A_138 {strides = array<i32>} : memref<1024xf32, #tpu.memory_space<vmem>>, vector<16xf32>,
        %max3A_143 = arith.maximumf %get3A_75, %get3A_93 : vector<16xf32>
        %max3A_144 = arith.maximumf %get3A_113, %get3A_133 : vector<16xf32>
        %max3A_145 = arith.maximumf %max3A_143, %max3A_144 : vector<16xf32>
        %max3A_146 = arith.maximumf %scan3A_65, %max3A_145 : vector<16xf32>
        scf.yield %max3A_146 : vector<16xf32>
      }
      %scan3A_55 = arith.constant 16 : i32
      %broadcast_in_dim3A_56 = vector.broadcast %scan3A_48 : i32 to vector<16xi32>
      %reduce_max3A = arith.constant true
      %reduce_max3A_57 = vector.broadcast %reduce_max3A : i1 to vector<16xi1>
      %reduce_max3A_58 = tpu.scan <max>, %scan3A_54 masked %reduce_max3A_57 : vector<16xf32>, vector<16xi1> -> vector<16xf32>
      %reduce_max3A_59 = vector.extract %reduce_max3A_58[15] : f32 from vector<16xf32>
      %broadcast_in_dim3A_60 = vector.broadcast %reduce_max3A_59 : f32 to vector<16xf32>
      %eq3A = arith.constant 0 : i32
      %eq3A_61 = vector.broadcast %eq3A : i32 to vector<16xi32>
      %eq3A_62 = arith.cmpi eq, %iota3A, %eq3A_61 : vector<16xi32>
      tpu.vector_store_idx %arg12[%broadcast_in_dim3A_56], %broadcast_in_dim3A_60 masked %eq3A_62 : memref<64xf32, #tpu.memory_space<vmem>>[vector<16xi32>], vector<16xf32>, vector<16xi1>
      %scan3A_63 = arith.constant 0 : i32
      scf.yield %scan3A_63 : i32
    }
    %scan3A_45 = arith.constant 64 : i32
    %mul3A_46 = arith.constant 64 : i32
    %mul3A_47 = arith.muli %add3A, %mul3A_46 : i32
    "tpu.region"() ({
      %run_scoped3A = tpu.sem_alloc : memref<!tpu.dma_semaphore, #tpu.memory_space<semaphore_mem>>
      %dma_start3A_48 = tpu.memref_slice %arg4[%mul3A_47] : memref<2048xf32, #tpu.memory_space<hbm>> -> memref<64xf32, #tpu.memory_space<hbm>>
      %dma_start3A_49 = tpu.memref_slice %arg4[%mul3A_47] : memref<2048xf32, #tpu.memory_space<hbm>> -> memref<64xf32, #tpu.memory_space<hbm>>
      tpu.enqueue_dma source(%arg12 : memref<64xf32, #tpu.memory_space<vmem>>) target(%dma_start3A_49 : memref<64xf32, #tpu.memory_space<hbm>>) target_semaphore(%run_scoped3A : memref<!tpu.dma_semaphore, #tpu.memory_space<semaphore_mem>>)
      %dma_wait3A = tpu.memref_slice %arg4[%mul3A_47] : memref<2048xf32, #tpu.memory_space<hbm>> -> memref<64xf32, #tpu.memory_space<hbm>>
      %dma_wait3A_50 = tpu.memref_slice %arg4[%mul3A_47] : memref<2048xf32, #tpu.memory_space<hbm>> -> memref<64xf32, #tpu.memory_space<hbm>>
      tpu.wait_dma2 semaphore(%run_scoped3A : memref<!tpu.dma_semaphore, #tpu.memory_space<semaphore_mem>>) src(%arg12 : memref<64xf32, #tpu.memory_space<vmem>>) dst(%dma_wait3A_50 : memref<64xf32, #tpu.memory_space<hbm>>)
      tpu.yield
    }) : () -> ()
    "tpu.region"() ({
      %run_scoped3A = tpu.sem_alloc : memref<!tpu.dma_semaphore, #tpu.memory_space<semaphore_mem>>
      %dma_start3A_48 = arith.constant 0 : i32
      %dma_start3A_49 = tpu.memref_slice %arg5[%add3A, %dma_start3A_48] : memref<32x1024xf32, #tpu.memory_space<hbm>> -> memref<1x1024xf32, #tpu.memory_space<hbm>>
      %dma_start3A_50 = tpu.memref_squeeze %dma_start3A_49 : memref<1x1024xf32, #tpu.memory_space<hbm>> -> memref<1024xf32, #tpu.memory_space<hbm>>
      %dma_start3A_51 = arith.constant 0 : i32
      %dma_start3A_52 = tpu.memref_slice %arg5[%add3A, %dma_start3A_51] : memref<32x1024xf32, #tpu.memory_space<hbm>> -> memref<1x1024xf32, #tpu.memory_space<hbm>>
      %dma_start3A_53 = tpu.memref_squeeze %dma_start3A_52 : memref<1x1024xf32, #tpu.memory_space<hbm>> -> memref<1024xf32, #tpu.memory_space<hbm>>
      tpu.enqueue_dma source(%arg11 : memref<1024xf32, #tpu.memory_space<vmem>>) target(%dma_start3A_53 : memref<1024xf32, #tpu.memory_space<hbm>>) target_semaphore(%run_scoped3A : memref<!tpu.dma_semaphore, #tpu.memory_space<semaphore_mem>>)
      %dma_wait3A = arith.constant 0 : i32
      %dma_wait3A_54 = tpu.memref_slice %arg5[%add3A, %dma_wait3A] : memref<32x1024xf32, #tpu.memory_space<hbm>> -> memref<1x1024xf32, #tpu.memory_space<hbm>>
      %dma_wait3A_55 = tpu.memref_squeeze %dma_wait3A_54 : memref<1x1024xf32, #tpu.memory_space<hbm>> -> memref<1024xf32, #tpu.memory_space<hbm>>
      %dma_wait3A_56 = arith.constant 0 : i32
      %dma_wait3A_57 = tpu.memref_slice %arg5[%add3A, %dma_wait3A_56] : memref<32x1024xf32, #tpu.memory_space<hbm>> -> memref<1x1024xf32, #tpu.memory_space<hbm>>
      %dma_wait3A_58 = tpu.memref_squeeze %dma_wait3A_57 : memref<1x1024xf32, #tpu.memory_space<hbm>> -> memref<1024xf32, #tpu.memory_space<hbm>>
      tpu.wait_dma2 semaphore(%run_scoped3A : memref<!tpu.dma_semaphore, #tpu.memory_space<semaphore_mem>>) src(%arg11 : memref<1024xf32, #tpu.memory_space<vmem>>) dst(%dma_wait3A_58 : memref<1024xf32, #tpu.memory_space<hbm>>)
      tpu.yield
    }) : () -> ()
    return
  }
}

module attributes {stable_mosaic.version = 14 : i64} {
  func.func @_mlp_body(%arg0: i32, %arg1: memref<9x32768xf32, #tpu.memory_space<vmem>>, %arg2: memref<2x32768xi32, #tpu.memory_space<vmem>>, %arg3: memref<18x9xf32, #tpu.memory_space<vmem>>, %arg4: memref<18x1xf32, #tpu.memory_space<vmem>>, %arg5: memref<36x18xf32, #tpu.memory_space<vmem>>, %arg6: memref<36x1xf32, #tpu.memory_space<vmem>>, %arg7: memref<36x36xf32, #tpu.memory_space<vmem>>, %arg8: memref<36x1xf32, #tpu.memory_space<vmem>>, %arg9: memref<1x36xf32, #tpu.memory_space<vmem>>, %arg10: memref<1x1xf32, #tpu.memory_space<vmem>>, %arg11: memref<32768xf32, #tpu.memory_space<vmem>>, %arg12: memref<32768xi32, #tpu.memory_space<vmem>>) attributes {dimension_semantics = [#tpu.dimension_semantics<arbitrary>], iteration_bounds = array<i64: 31>, scalar_prefetch = 0 : i64, scratch_operands = 0 : i64, tpu.core_type = #tpu.core_type<tc>, window_params = [{transform_indices = @transform_0, window_bounds = array<i64: 9, 32768>}, {transform_indices = @transform_1, window_bounds = array<i64: 2, 32768>}, {pipeline_mode = #tpu.pipeline_mode<synchronous>, transform_indices = @transform_2, window_bounds = array<i64: 18, 9>}, {pipeline_mode = #tpu.pipeline_mode<synchronous>, transform_indices = @transform_3, window_bounds = array<i64: 18, 1>}, {pipeline_mode = #tpu.pipeline_mode<synchronous>, transform_indices = @transform_4, window_bounds = array<i64: 36, 18>}, {pipeline_mode = #tpu.pipeline_mode<synchronous>, transform_indices = @transform_5, window_bounds = array<i64: 36, 1>}, {pipeline_mode = #tpu.pipeline_mode<synchronous>, transform_indices = @transform_6, window_bounds = array<i64: 36, 36>}, {pipeline_mode = #tpu.pipeline_mode<synchronous>, transform_indices = @transform_7, window_bounds = array<i64: 36, 1>}, {pipeline_mode = #tpu.pipeline_mode<synchronous>, transform_indices = @transform_8, window_bounds = array<i64: 1, 36>}, {pipeline_mode = #tpu.pipeline_mode<synchronous>, transform_indices = @transform_9, window_bounds = array<i64: 1, 1>}, {transform_indices = @transform_10, window_bounds = array<i64: 32768>}, {transform_indices = @transform_11, window_bounds = array<i64: 32768>}]} {
    %get3A = arith.constant 0 : index
    %get3A_0 = arith.constant 0 : index
    %get3A_1 = vector.load %arg1[%get3A, %get3A_0] : memref<9x32768xf32, #tpu.memory_space<vmem>>, vector<9x32768xf32>
    %get3A_2 = arith.constant 0 : index
    %get3A_3 = arith.constant 0 : index
    %get3A_4 = vector.load %arg3[%get3A_2, %get3A_3] : memref<18x9xf32, #tpu.memory_space<vmem>>, vector<18x9xf32>
    %dot_general3A = arith.constant dense<0.000000e+00> : vector<18x32768xf32>
    %dot_general3A_5 = tpu.matmul %get3A_4, %get3A_1, %dot_general3A {dimension_numbers = #tpu.dot_dimension_numbers<[1], [0], [0], [1], [0, 0, 1, 1], [], []>, transpose_lhs_hint = false} : vector<18x9xf32>, vector<9x32768xf32>, vector<18x32768xf32> -> vector<18x32768xf32>
    %get3A_6 = arith.constant 0 : index
    %get3A_7 = arith.constant 0 : index
    %get3A_8 = vector.load %arg4[%get3A_6, %get3A_7] : memref<18x1xf32, #tpu.memory_space<vmem>>, vector<18x1xf32>
    %add3A = vector.broadcast %get3A_8 : vector<18x1xf32> to vector<18x32768xf32>
    %add3A_9 = arith.addf %dot_general3A_5, %add3A : vector<18x32768xf32>
    %max3A = arith.constant 0.000000e+00 : f32
    %max3A_10 = vector.broadcast %max3A : f32 to vector<18x32768xf32>
    %max3A_11 = arith.maximumf %add3A_9, %max3A_10 : vector<18x32768xf32>
    %get3A_12 = arith.constant 0 : index
    %get3A_13 = arith.constant 0 : index
    %get3A_14 = vector.load %arg5[%get3A_12, %get3A_13] : memref<36x18xf32, #tpu.memory_space<vmem>>, vector<36x18xf32>
    %dot_general3A_15 = arith.constant dense<0.000000e+00> : vector<36x32768xf32>
    %dot_general3A_16 = tpu.matmul %get3A_14, %max3A_11, %dot_general3A_15 {dimension_numbers = #tpu.dot_dimension_numbers<[1], [0], [0], [1], [0, 0, 1, 1], [], []>, transpose_lhs_hint = false} : vector<36x18xf32>, vector<18x32768xf32>, vector<36x32768xf32> -> vector<36x32768xf32>
    %get3A_17 = arith.constant 0 : index
    %get3A_18 = arith.constant 0 : index
    %get3A_19 = vector.load %arg6[%get3A_17, %get3A_18] : memref<36x1xf32, #tpu.memory_space<vmem>>, vector<36x1xf32>
    %add3A_20 = vector.broadcast %get3A_19 : vector<36x1xf32> to vector<36x32768xf32>
    %add3A_21 = arith.addf %dot_general3A_16, %add3A_20 : vector<36x32768xf32>
    %max3A_22 = arith.constant 0.000000e+00 : f32
    %max3A_23 = vector.broadcast %max3A_22 : f32 to vector<36x32768xf32>
    %max3A_24 = arith.maximumf %add3A_21, %max3A_23 : vector<36x32768xf32>
    %get3A_25 = arith.constant 0 : index
    %get3A_26 = arith.constant 0 : index
    %get3A_27 = vector.load %arg7[%get3A_25, %get3A_26] : memref<36x36xf32, #tpu.memory_space<vmem>>, vector<36x36xf32>
    %dot_general3A_28 = arith.constant dense<0.000000e+00> : vector<36x32768xf32>
    %dot_general3A_29 = tpu.matmul %get3A_27, %max3A_24, %dot_general3A_28 {dimension_numbers = #tpu.dot_dimension_numbers<[1], [0], [0], [1], [0, 0, 1, 1], [], []>, transpose_lhs_hint = false} : vector<36x36xf32>, vector<36x32768xf32>, vector<36x32768xf32> -> vector<36x32768xf32>
    %get3A_30 = arith.constant 0 : index
    %get3A_31 = arith.constant 0 : index
    %get3A_32 = vector.load %arg8[%get3A_30, %get3A_31] : memref<36x1xf32, #tpu.memory_space<vmem>>, vector<36x1xf32>
    %add3A_33 = vector.broadcast %get3A_32 : vector<36x1xf32> to vector<36x32768xf32>
    %add3A_34 = arith.addf %dot_general3A_29, %add3A_33 : vector<36x32768xf32>
    %max3A_35 = arith.constant 0.000000e+00 : f32
    %max3A_36 = vector.broadcast %max3A_35 : f32 to vector<36x32768xf32>
    %max3A_37 = arith.maximumf %add3A_34, %max3A_36 : vector<36x32768xf32>
    %get3A_38 = arith.constant 0 : index
    %get3A_39 = arith.constant 0 : index
    %get3A_40 = vector.load %arg9[%get3A_38, %get3A_39] : memref<1x36xf32, #tpu.memory_space<vmem>>, vector<1x36xf32>
    %dot_general3A_41 = arith.constant dense<0.000000e+00> : vector<1x32768xf32>
    %dot_general3A_42 = tpu.matmul %get3A_40, %max3A_37, %dot_general3A_41 {dimension_numbers = #tpu.dot_dimension_numbers<[1], [0], [0], [1], [0, 0, 1, 1], [], []>, transpose_lhs_hint = false} : vector<1x36xf32>, vector<36x32768xf32>, vector<1x32768xf32> -> vector<1x32768xf32>
    %get3A_43 = arith.constant 0 : index
    %get3A_44 = arith.constant 0 : index
    %get3A_45 = vector.load %arg10[%get3A_43, %get3A_44] : memref<1x1xf32, #tpu.memory_space<vmem>>, vector<1x1xf32>
    %add3A_46 = vector.broadcast %get3A_45 : vector<1x1xf32> to vector<1x32768xf32>
    %add3A_47 = arith.addf %dot_general3A_42, %add3A_46 : vector<1x32768xf32>
    %reshape3A = vector.shape_cast %add3A_47 : vector<1x32768xf32> to vector<32768xf32>
    %swap3A = arith.constant 0 : index
    %swap3A_48 = vector.load %arg11[%swap3A] : memref<32768xf32, #tpu.memory_space<vmem>>, vector<32768xf32>
    tpu.vector_store %arg11[%swap3A], %reshape3A {strides = array<i32>} : memref<32768xf32, #tpu.memory_space<vmem>>, vector<32768xf32>,
    %mul3A = arith.constant 32768 : i32
    %mul3A_49 = arith.muli %arg0, %mul3A : i32
    %iota3A = tpu.iota {dimensions = array<i32: 1>} : vector<1x32768xi32>
    %add3A_50 = vector.broadcast %mul3A_49 : i32 to vector<1x32768xi32>
    %add3A_51 = arith.addi %add3A_50, %iota3A : vector<1x32768xi32>
    %get3A_52 = arith.constant 0 : index
    %get3A_53 = arith.constant 0 : index
    %get3A_54 = vector.load %arg2[%get3A_52, %get3A_53] : memref<2x32768xi32, #tpu.memory_space<vmem>>, vector<2x32768xi32>
    %slice3A = vector.extract_strided_slice %get3A_54 {offsets = [0, 0], sizes = [1, 32768], strides = [1, 1]} : vector<2x32768xi32> to vector<1x32768xi32>
    %mul3A_55 = arith.constant 1024 : i32
    %mul3A_56 = vector.broadcast %mul3A_55 : i32 to vector<1x32768xi32>
    %mul3A_57 = arith.muli %slice3A, %mul3A_56 : vector<1x32768xi32>
    %slice3A_58 = vector.extract_strided_slice %get3A_54 {offsets = [1, 0], sizes = [1, 32768], strides = [1, 1]} : vector<2x32768xi32> to vector<1x32768xi32>
    %add3A_59 = arith.addi %mul3A_57, %slice3A_58 : vector<1x32768xi32>
    %lt3A = arith.constant 1000000 : i32
    %lt3A_60 = vector.broadcast %lt3A : i32 to vector<1x32768xi32>
    %lt3A_61 = arith.cmpi slt, %add3A_51, %lt3A_60 : vector<1x32768xi32>
    %jit3A = arith.constant 2097151 : i32
    %broadcast_in_dim3A = vector.broadcast %jit3A : i32 to vector<1x32768xi32>
    %select_n3A = arith.select %lt3A_61, %add3A_59, %broadcast_in_dim3A : vector<1x32768xi1>, vector<1x32768xi32>
    %reshape3A_62 = vector.shape_cast %select_n3A : vector<1x32768xi32> to vector<32768xi32>
    %swap3A_63 = arith.constant 0 : index
    %swap3A_64 = vector.load %arg12[%swap3A_63] : memref<32768xi32, #tpu.memory_space<vmem>>, vector<32768xi32>
    tpu.vector_store %arg12[%swap3A_63], %reshape3A_62 {strides = array<i32>} : memref<32768xi32, #tpu.memory_space<vmem>>, vector<32768xi32>,
    return
  }
  func.func @transform_0(%arg0: i32) -> (i32, i32) {
    %c0_i32 = arith.constant 0 : i32
    %c0_i32_0 = arith.constant 0 : i32
    return %c0_i32, %arg0 : i32, i32
  }
  func.func @transform_1(%arg0: i32) -> (i32, i32) {
    %c0_i32 = arith.constant 0 : i32
    %c0_i32_0 = arith.constant 0 : i32
    return %c0_i32, %arg0 : i32, i32
  }
  func.func @transform_2(%arg0: i32) -> (i32, i32) {
    %c0_i32 = arith.constant 0 : i32
    %c0_i32_0 = arith.constant 0 : i32
    %c0_i32_1 = arith.constant 0 : i32
    return %c0_i32, %c0_i32_0 : i32, i32
  }
  func.func @transform_3(%arg0: i32) -> (i32, i32) {
    %c0_i32 = arith.constant 0 : i32
    %c0_i32_0 = arith.constant 0 : i32
    %c0_i32_1 = arith.constant 0 : i32
    return %c0_i32, %c0_i32_0 : i32, i32
  }
  func.func @transform_4(%arg0: i32) -> (i32, i32) {
    %c0_i32 = arith.constant 0 : i32
    %c0_i32_0 = arith.constant 0 : i32
    %c0_i32_1 = arith.constant 0 : i32
    return %c0_i32, %c0_i32_0 : i32, i32
  }
  func.func @transform_5(%arg0: i32) -> (i32, i32) {
    %c0_i32 = arith.constant 0 : i32
    %c0_i32_0 = arith.constant 0 : i32
    %c0_i32_1 = arith.constant 0 : i32
    return %c0_i32, %c0_i32_0 : i32, i32
  }
  func.func @transform_6(%arg0: i32) -> (i32, i32) {
    %c0_i32 = arith.constant 0 : i32
    %c0_i32_0 = arith.constant 0 : i32
    %c0_i32_1 = arith.constant 0 : i32
    return %c0_i32, %c0_i32_0 : i32, i32
  }
  func.func @transform_7(%arg0: i32) -> (i32, i32) {
    %c0_i32 = arith.constant 0 : i32
    %c0_i32_0 = arith.constant 0 : i32
    %c0_i32_1 = arith.constant 0 : i32
    return %c0_i32, %c0_i32_0 : i32, i32
  }
  func.func @transform_8(%arg0: i32) -> (i32, i32) {
    %c0_i32 = arith.constant 0 : i32
    %c0_i32_0 = arith.constant 0 : i32
    %c0_i32_1 = arith.constant 0 : i32
    return %c0_i32, %c0_i32_0 : i32, i32
  }
  func.func @transform_9(%arg0: i32) -> (i32, i32) {
    %c0_i32 = arith.constant 0 : i32
    %c0_i32_0 = arith.constant 0 : i32
    %c0_i32_1 = arith.constant 0 : i32
    return %c0_i32, %c0_i32_0 : i32, i32
  }
  func.func @transform_10(%arg0: i32) -> i32 {
    %c0_i32 = arith.constant 0 : i32
    return %arg0 : i32
  }
  func.func @transform_11(%arg0: i32) -> i32 {
    %c0_i32 = arith.constant 0 : i32
    return %arg0 : i32
  }
}

module attributes {stable_mosaic.version = 14 : i64} {
  func.func @_colmax_body(%arg0: memref<32x1024xf32, #tpu.memory_space<vmem>>, %arg1: memref<1x1024xf32, #tpu.memory_space<vmem>>) attributes {dimension_semantics = [], scalar_prefetch = 0 : i64, scratch_operands = 0 : i64, tpu.core_type = #tpu.core_type<tc>} {
    %get3A = arith.constant 0 : index
    %get3A_0 = arith.constant 0 : index
    %get3A_1 = vector.load %arg0[%get3A, %get3A_0] : memref<32x1024xf32, #tpu.memory_space<vmem>>, vector<32x1024xf32>
    %reduce_max3A = arith.constant dense<0xFF800000> : vector<1024xf32>
    %reduce_max3A_2 = vector.multi_reduction <maximumf>, %get3A_1, %reduce_max3A [0] : vector<32x1024xf32> to vector<1024xf32>
    %broadcast_in_dim3A = vector.shape_cast %reduce_max3A_2 : vector<1024xf32> to vector<1x1024xf32>
    %swap3A = arith.constant 0 : index
    %swap3A_3 = arith.constant 0 : index
    %swap3A_4 = vector.load %arg1[%swap3A, %swap3A_3] : memref<1x1024xf32, #tpu.memory_space<vmem>>, vector<1x1024xf32>
    tpu.vector_store %arg1[%swap3A, %swap3A_3], %broadcast_in_dim3A {strides = array<i32>} : memref<1x1024xf32, #tpu.memory_space<vmem>>, vector<1x1024xf32>,
    return
  }
}

</mosaic_0001>

<sc_bundles>
// kernel: kernel.5.cloned.1.call-start
scs
__scs_entry_jumppad:
0x0: {  	(pc) =	sbr.rel $0x88, $3  }
0x1: {  	(tag) =	ssettag $0x0;
	lr =	simm.s32 $0x1  }
0x2: {  	[smem:$0x3F97] =	sst lr;
	_ =	strace $0xD0000000  }
0x3: {  	_ = 	snop  }
0x4: {  	_ = 	snop  }
0x5: {  	_ = 	snop  }
0x6: {  	_ = 	snop  }
0x7: {  	_ = 	snop  }
__scs_overlays_trampoline_lowered:
0x8: {  	[smem:$0x3FA6] =	sst s0  }
0x9: {  	[smem:$0x3FA7] =	sst s1  }
0xa: {  	[smem:$0x3FA8] =	sst s2  }
0xb: {  	[smem:$0x3FA9] =	sst s3  }
0xc: {  	[smem:$0x3FAA] =	sst s4  }
0xd: {  	[smem:$0x3FAB] =	sst s5  }
0xe: {  	[smem:$0x3FAC] =	sst s6  }
0xf: {  	[smem:$0x3FAD] =	sst s7  }
0x10: {  	[smem:$0x3FAE] =	sst s8  }
0x11: {  	[smem:$0x3FAF] =	sst s9;
	s0 =	simm.s32 @!p0 $0x0  }
0x12: {  	s1 =	sld [smem:$0x3F95];
	s0 =	simm.s32 @p0 $0x1  }
0x13: {  	[smem:$0x3FB0] =	sst s0;
	s0 =	simm.s32 @!p1 $0x0  }
0x14: {  	s2 =	sld [smem:$0x3F94];
	s0 =	simm.s32 @p1 $0x1  }
0x15: {  	[smem:$0x3FB1] =	sst s0;
	s0 =	simm.s32 @!p2 $0x0  }
0x16: {  	s3 =	sld [smem:$0x3FDB];
	s0 =	simm.s32 @p2 $0x1  }
0x17: {  	s4 =	simm.s32 $0x1BF5;
	[smem:$0x3FB3] =	sst s0  }
0x18: {  	s0 =	sld [smem:$0x3F96];
	_ =	swait.ge [sflag:s4], $0x0  }
0x19: {  	s7 =	sld [smem:$0x3F97]  }
0x1a: {  	s8 =	sadd.s32 $0xFFFFE003, lr  }
0x1b: {  	s9 =	sadd.s32 $0xFFFFFEF7, lr;
	s5 =	simm.s32 $0xFFFFFFFF;
	p2 =	slt.u32 s8, $0xFFFFF086  }
0x1c: {  	p1 =	slt.u32 s9, $0xF7A;
	s5 =	simm.s32 @!p2 $0x0  }
0x1d: {  	s5 =	simm.s32 @p1 $0x1;
	p0 =	seq.s32 s7, s2  }
0x1e: {  	s7 =	smul.u32 @!p0 $0xF7A, s2;
	p2 =	seq.s32 @!p0 s5, $0x0  }
0x1f: {  	s9 =	smul.u32 $0xF7A, s1;
	s8 =	simm.s32 @!p0 $0x1BF5;
	p2 =	por !p2, p0  }
0x20: {  	[sflag:s8] =	ssyncset.s32 @!p0 $0xFFFFF086;
	s6 =	sadd.s32 @!p0 s3, s7;
	s7 =	simm.s32 @!p0 $0x108  }
0x21: {  	s3 =	sadd.s32 s3, s9;
	s6 =	sadd.s32 @!p0 $0x88, s6;
	s7 =	simm.s32 @p2 $0x1082  }
0x22: {  	[simem:s7], [sflag:s8] =	dma.local @!p0 [hbm:s6], $0xF7A  }
0x23: {  	s9 =	sor.u32 $0xD0000000, s2;
	s6 =	simm.s32 $0x108;
	_ =	swait.ge @!p0 [sflag:s8], $0x0  }
0x24: {  	s3 =	sadd.s32 $0x88, s3;
	s6 =	simm.s32 @!p1 $0x1082;
	[sflag:s4] =	ssyncset.s32 $0xFFFFF086  }
0x25: {  	[simem:s6], [sflag:s4] =	dma.local [hbm:s3], $0xF7A  }
0x26: {  	[smem:$0x3F97] =	sst s1;
	(tag) =	ssettag s2;
	_ =	strace s9  }
0x27: {  	s1 =	sld [smem:$0x3FA7]  }
0x28: {  	s2 =	sld [smem:$0x3FA8]  }
0x29: {  	s4 =	sld [smem:$0x3FAA]  }
0x2a: {  	p0 =	seq.s32 s5, $0x0;
	s5 =	sld [smem:$0x3FAB]  }
0x2b: {  	s6 =	sld [smem:$0x3FAC]  }
0x2c: {  	s7 =	sld [smem:$0x3FAD]  }
0x2d: {  	s3 =	simm.s32 $0x108;
	s8 =	sld [smem:$0x3FAE]  }
0x2e: {  	s3 =	simm.s32 @!p0 $0x1082;
	s9 =	sld [smem:$0x3FAF]  }
0x2f: {  	lr =	sadd.s32 s0, s3;
	s0 =	sld [smem:$0x3FA6]  }
0x30: {  	s3 =	sld [smem:$0x3FA9]  }
0x31: {  	[smem:$0x3FB2] =	sst s10  }
0x32: {  	s10 =	sld [smem:$0x3FB0];
	_ =	sdelay $0x3  }
0x33: {  	p0 =	seq.s32 s10, $0x1;
	s10 =	sld [smem:$0x3FB2];
	_ =	sdelay $0x3  }
0x34: {  	[smem:$0x3FB2] =	sst s10  }
0x35: {  	s10 =	sld [smem:$0x3FB1];
	_ =	sdelay $0x3  }
0x36: {  	p1 =	seq.s32 s10, $0x1;
	s10 =	sld [smem:$0x3FB2];
	_ =	sdelay $0x3  }
0x37: {  	[smem:$0x3FB2] =	sst s10  }
0x38: {  	s10 =	sld [smem:$0x3FB3]  }
0x39: {  	_ = 	snop;
	(pc) =	sbr.ind lr, $3  }
0x3a: {  	_ = 	snop  }
0x3b: {  	_ = 	snop  }
0x3c: {  	p2 =	seq.s32 s10, $0x1;
	s10 =	sld [smem:$0x3FB2]  }
0x3d: {  	_ =	shalt  }
0x3e: {  	_ =	shalt  }
0x3f: {  	_ =	shalt  }
0x40: {  	_ =	shalt  }
0x41: {  	_ =	shalt  }
0x42: {  	_ =	shalt  }
0x43: {  	_ =	shalt  }
0x44: {  	_ =	shalt  }
0x45: {  	_ =	shalt  }
0x46: {  	_ =	shalt  }
0x47: {  	_ =	shalt  }
0x48: {  	_ =	shalt  }
0x49: {  	_ =	shalt  }
0x4a: {  	_ =	shalt  }
0x4b: {  	_ =	shalt  }
0x4c: {  	_ =	shalt  }
0x4d: {  	_ =	shalt  }
0x4e: {  	_ =	shalt  }
0x4f: {  	_ =	shalt  }
0x50: {  	_ =	shalt  }
0x51: {  	_ =	shalt  }
0x52: {  	_ =	shalt  }
0x53: {  	_ =	shalt  }
0x54: {  	_ =	shalt  }
0x55: {  	_ =	shalt  }
0x56: {  	_ =	shalt  }
0x57: {  	_ =	shalt  }
0x58: {  	_ =	shalt  }
0x59: {  	_ =	shalt  }
0x5a: {  	_ =	shalt  }
0x5b: {  	_ =	shalt  }
0x5c: {  	_ =	shalt  }
0x5d: {  	_ =	shalt  }
0x5e: {  	_ =	shalt  }
0x5f: {  	_ =	shalt  }
0x60: {  	_ =	shalt  }
0x61: {  	_ =	shalt  }
0x62: {  	_ =	shalt  }
0x63: {  	_ =	shalt  }
0x64: {  	_ =	shalt  }
0x65: {  	_ =	shalt  }
0x66: {  	_ =	shalt  }
0x67: {  	_ =	shalt  }
0x68: {  	_ =	shalt  }
0x69: {  	_ =	shalt  }
0x6a: {  	_ =	shalt  }
0x6b: {  	_ =	shalt  }
0x6c: {  	_ =	shalt  }
0x6d: {  	_ =	shalt  }
0x6e: {  	_ =	shalt  }
0x6f: {  	_ =	shalt  }
0x70: {  	_ =	shalt  }
0x71: {  	_ =	shalt  }
0x72: {  	_ =	shalt  }
0x73: {  	_ =	shalt  }
0x74: {  	_ =	shalt  }
0x75: {  	_ =	shalt  }
0x76: {  	_ =	shalt  }
0x77: {  	_ =	shalt  }
0x78: {  	_ =	shalt  }
0x79: {  	_ =	shalt  }
0x7a: {  	_ =	shalt  }
0x7b: {  	_ =	shalt  }
0x7c: {  	_ =	shalt  }
0x7d: {  	_ =	shalt  }
0x7e: {  	_ =	shalt  }
0x7f: {  	_ =	shalt  }
0x80: {  	_ =	shalt  }
0x81: {  	_ =	shalt  }
0x82: {  	_ =	shalt  }
0x83: {  	_ =	shalt  }
0x84: {  	_ =	shalt  }
0x85: {  	_ =	shalt  }
0x86: {  	_ =	shalt  }
0x87: {  	_ =	shalt  }
.Lfunc_end0:
.L_simem_size_0:
called_computation.1_lowered:
.L_overlay_start_0:
0x88: {  	s2 =	sld [smem:$0x3FD9]  }
0x89: {  	s3 =	sld [smem:$0x3FFE];
	_ =	sdelay $0x1  }
0x8a: {  	s1 =	srdreg.scid  }
0x8b: {  	s0 =	sand.u32 $0x1, s1  }
0x8c: {  	s14 =	sshll.u32 s0, $0xA;
	s2 =	sadd.s32 s3, s2  }
0x8d: {  	s2 =	sadd.s32 s2, s14  }
0x8e: {  	[smem:$0x3FBE] =	sst s2  }
0x8f: {  	_ = 	snop  }
0x90: {  	s2 =	sld [smem:$0x3FD0];
	_ =	sdelay $0x2  }
0x91: {  	s15 =	simm.s32 $0xA;
	s4 =	simm.s32 $0x10  }
0x92: {  	[smem:s4], [sflag:s15] =	dma.local [hbm:s2], $0x1  }
0x93: {  	_ =	swait.eq [sflag:s15], $0x1  }
0x94: {  	[sflag:s15] =	ssyncset.done $0x0  }
0x95: {  	[sflag:s15] =	ssyncadd.s32 $0xFFFFFFFF  }
0x96: {  	s16 =	sld [smem:$0x10];
	(tm) =	ssettm $0x1  }
0x97: {  	s17 =	sld [smem:$0x3FFB];
	_ =	sdelay $0x3  }
0x98: {  	_ =	strace s17  }
0x99: {  	s3 =	sld [smem:$0x3FFC];
	_ =	sdelay $0x3  }
0x9a: {  	_ =	strace s3  }
0x9b: {  	s3 =	sld [smem:$0x3FFD];
	_ =	sdelay $0x3  }
0x9c: {  	_ =	strace s3  }
0x9d: {  	_ =	strace $0x8FFFFFFF  }
0x9e: {  	s18 =	sld [smem:$0x3FDB];
	_ =	sdelay $0x1  }
0x9f: {  	s19 =	simm.s32 $_scs_section_size  }
0xa0: {  	s5 =	simm.s32 $_size__tile_overlayer_lowered;
	s6 =	simm.s32 $_tile_overlayer_lowered  }
0xa1: {  	s22 =	simm.s32 $0x1BFF;
	s21 =	sshll.u32 s6, $0x1;
	s3 =	sadd.s32 s19, s18  }
0xa2: {  	s7 =	simm.s32 $0x0;
	s20 =	sshll.u32 s5, $0x1;
	s5 =	sadd.s32 s21, s3  }
0xa3: {  	[timem:s7], [sflag:s22] =	dma.local [hbm:s5], s20  }
0xa4: {  	_ =	swait.ge [sflag:s22], s20  }
0xa5: {  	s4 =	ssub.s32 $0x0, s20;
	[sflag:s22] =	ssyncset.done $0x0  }
0xa6: {  	[sflag:s22] =	ssyncadd.s32 s4;
	_ =	sdelay $0x1  }
0xa7: {  	s23 =	simm.s32 $0x1B8B  }
0xa8: {  	_ =	swait.ge [sflag:s23], $0x1  }
0xa9: {  	[sflag:s23] =	ssyncset.done $0x0  }
0xaa: {  	s25 =	simm.s32 $0x1B8E;
	s24 =	sld [smem:$0x3FFE];
	[sflag:s23] =	ssyncadd.s32 $0xFFFFFFFF  }
0xab: {  	s26 =	simm.s32 $execute0_lowered;
	[smem:$0x3FD2] =	sst s25  }
0xac: {  	s5 =	sshll.u32 s26, $0x1;
	_ =	strace $0x80000049;
	[dreg:$0x1] =	wrdreg $0xFFFFFFFF  }
0xad: {  	s28 =	simm.s32 $_size_execute0_lowered;
	s3 =	sadd.s32 s3, s5;
	[dreg:$0x0] =	wrdreg $0x0  }
0xae: {  	s5 =	sshll.u32 s28, $0x1;
	[dreg:$0x2] =	wrdreg s3  }
0xaf: {  	[dreg:$0x3] =	wrdreg s5  }
0xb0: {  	[dreg:$0x4] =	wrdreg $0xC0  }
0xb1: {  	_ =	task [dreg:s7], $0x5FFFF  }
0xb2: {  	[dreg:$0x1] =	wrdreg $0xFFFFFFFF  }
0xb3: {  	[dreg:$0x0] =	wrdreg $0x60  }
0xb4: {  	[dreg:$0x2] =	wrdreg s24  }
0xb5: {  	[dreg:$0x3] =	wrdreg s16  }
0xb6: {  	[dreg:$0x4] =	wrdreg $0x9  }
0xb7: {  	_ =	task.clear_ibuf [dreg:s7], $0x5FFFF;
	_ =	strace $0x90000049  }
0xb8: {  	s29 =	simm.s32 $0x9;
	_ =	strace $0x8000004B  }
0xb9: {  	_ =	swait.ge [sflag:s29], $0x1  }
0xba: {  	[sflag:s29] =	ssyncadd.s32 $0xFFFFFFFF  }
0xbb: {  	_ =	strace $0x9000004B  }
0xbc: {  	_ =	sfence  }
0xbd: {  	s30 =	sld [smem:$0x0];
	_ =	sdelay $0x2  }
0xbe: {  	s31 =	sshll.u32 s1, $0xD;
	s1 =	sshrl.u32 s1, $0x2  }
0xbf: {  	s3 =	sand.u32 $0x4000, s31;
	s1 =	sadd.s32 s1, s30  }
0xc0: {  	s0 =	sor.u32 s3, s0;
	s1 =	sshll.u32 s1, $0x11  }
0xc1: {  	s0 =	sor.u32 s1, s0  }
0xc2: {  	s0 =	sadd.s32 $0x8F2B, s0  }
0xc3: {  	[sflag:s0] =	ssyncadd.remote.s32 $0x1  }
0xc4: {  	_ =	sfence.sel $0xFFFF  }
0xc5: {  	[dreg:$0x0] =	wrdreg $0xFFFFFFFF;
	(pc) =	sbr.abs _section_cstart, $3  }
0xc6: {  	[dreg:$0x1] =	wrdreg $0xFFFFFFFF  }
0xc7: {  	_ =	task.clear_ibuf [dreg:s7], $0x2FFFF;
	_ =	strace $0x9FFFFFFF  }
0xc8: {  	(tm) =	ssettm $0x7FFFFFFF  }
0xc9: {  	_ =	shalt  }
tec
execute0_lowered:
.L_overlay_start_1:
0x0: {  	(tag) =	ssettag $0x1  }
0x1: {  	s6 =	rddreg [dreg:$0x0]  }
0x2: {  	s7 =	rddreg [dreg:$0x1];
	s1 =	simm.s32 $0x0  }
0x3: {  	s4 =	srdreg.scid;
	s2 =	stileid.u32;
	s12 =	simm.s32 $0x12000  }
0x4: {  	s13 =	simm.s32 $0x16000;
	s14 =	simm.s32 $0x1;
	s15 =	simm.s32 $0x3  }
0x5: {  	s16 =	simm.s32 $0x2;
	s17 =	simm.s32 $0x4;
	s18 =	simm.s32 $0x18400  }
0x6: {  	s19 =	simm.s32 $0x5;
	s20 =	simm.s32 $0x80;
	s22 =	simm.s32 $0x18000  }
0x7: {  	s23 =	simm.s32 $0x0;
	[smem:$0x7FF] =	sst s1;
	s3 =	sadd.s32 $0x2400, s6  }
0x8: {  	s5 =	sand.u32 $0x1, s4;
	s4 =	sadd.s32 $0x21400, s6;
	s8 =	sshll.u32 s2, $0x4  }
0x9: {  	_ =	strace $0x8000004A;
	s9 =	sshll.u32 s5, $0x4;
	s5 =	ssub.s32 $0x2, s5  }
0xa: {  	s8 =	sand.u32 $0x70, s8;
	s9 =	sor.u32 s2, s9;
	s10 =	sshrl.u32 s5, $0x1  }
0xb: {  	s8 =	sadd.s32 s8, s6;
	s11 =	sshll.u32 s9, $0x7;
	s10 =	ssub.s32 s5, s10  }
0xc: {  	s21 =	sshll.u32 s9, $0x10;
	s5 =	sadd.s32 $0x2800, s6;
	s9 =	sshll.u32 s9, $0x3  }
0xd: {  	s6 =	sadd.s32 $0x21800, s6;
	s11 =	sand.u32 $0xC00, s11;
	s7 =	sadd.s32 s7, s9  }
0xe: {  	s9 =	smax.u32 s10, $0x1;
	s10 =	simm.s32 $0x10000;
	s8 =	sadd.s32 s11, s8  }
0xf: {  	v1 =	vimm.f32 $-9.999000000e+03;
	v0 =	vmov s21;
	s21 =	simm.s32 $0x400;
	s11 =	simm.s32 $0x14000;
	s8 =	sadd.s32 $0x40400, s8  }
.LBB2_1:
0x10: {  	s24 =	simm.s32 $0x40;
	s25 =	simm.s32 $0x0  }
.LBB2_2:
0x11: {  	p0 =	sne.s32 s24, $0x3FFC0;
	[tilespmem:s25+$0x0] =	vst v1;
	s25 =	smov.u32 s24;
	s24 =	sadd.s32 $0x40, s24  }
.Ltmp0:
0x12: {  	(pc) =	sbr.rel @p0 .LBB2_2-.Ltmp0, $2  }
0x13: {  	_ =	sdelay $0x2  }
0x14: {  	s25 =	sshra.s32 s25, $0x2  }
0x15: {  	[tilespmem:s25+$0x0] =	vst v1;
	s24 =	simm.s32 $0x0  }
0x16: {  	[tilespmem:s10], [sflag:$0x1] =	stream.linear.gather [hbm4b:s3+s24], $0x2000, $0x38;
	[tilespmem:$0x18480] =	vst v63  }
0x17: {  	_ = 	snop  }
0x18: {  	[tilespmem:s11], [sflag:$0x3] =	stream.linear.gather [hbm4b:s4+s24], $0x2000, $0x38;
	[tilespmem:$0x18480] =	vst v63  }
0x19: {  	_ = 	snop  }
0x1a: {  	[tilespmem:s12], [sflag:$0x2] =	stream.linear.gather [hbm4b:s5+s24], $0x2000, $0x38;
	[tilespmem:$0x18480] =	vst v63  }
0x1b: {  	_ = 	snop  }
0x1c: {  	[tilespmem:s13], [sflag:$0x4] =	stream.linear.gather [hbm4b:s6+s24], $0x2000, $0x38;
	[tilespmem:$0x18480] =	vst v63  }
.LBB2_4:
0x1d: {  	_ =	swait.ge [sflag:s14], $0x2000  }
0x1e: {  	[sflag:s14] =	ssyncset.done $0x0  }
0x1f: {  	[sflag:s14] =	ssyncadd.s32 $0xFFFFE000  }
0x20: {  	_ =	swait.ge [sflag:s15], $0x2000  }
0x21: {  	[sflag:s15] =	ssyncset.done $0x0  }
0x22: {  	s25 =	simm.s32 $0x0;
	[sflag:s15] =	ssyncadd.s32 $0xFFFFE000  }
.LBB2_5:
0x23: {  	s26 =	sshra.s32 s25, $0x2  }
0x24: {  	v2 =	vld [tilespmem:s26+$0x10000];
	_ =	sdelay $0x4  }
0x25: {  	v3 =	vsub.s32 v2, v0  }
0x26: {  	v2 =	vand.u32 $0x7F, v2;
	vm0 =	vlt.u32 v3, $0x10000;
	v3 =	vand.u32 $0xFFFFFF80, v3  }
0x27: {  	v4 =	vld [tilespmem:s26+$0x14000];
	v2 =	vor.u32 v2, v3;
	_ =	sdelay $0x4  }
0x28: {  	[tilespmem:v2+s1+$0x0] =	vst.idx.msk vm0, v4  }
0x29: {  	v2 =	vld [tilespmem:s26+$0x10010];
	_ =	sdelay $0x4  }
0x2a: {  	v3 =	vsub.s32 v2, v0  }
0x2b: {  	v2 =	vand.u32 $0x7F, v2;
	vm9 =	vlt.u32 v3, $0x10000;
	v3 =	vand.u32 $0xFFFFFF80, v3  }
0x2c: {  	v4 =	vld [tilespmem:s26+$0x14010];
	v2 =	vor.u32 v2, v3;
	_ =	sdelay $0x4  }
0x2d: {  	[tilespmem:v2+s1+$0x0] =	vst.idx.msk vm9, v4  }
0x2e: {  	v2 =	vld [tilespmem:s26+$0x10020];
	_ =	sdelay $0x4  }
0x2f: {  	v3 =	vsub.s32 v2, v0  }
0x30: {  	v2 =	vand.u32 $0x7F, v2;
	vm10 =	vlt.u32 v3, $0x10000;
	v3 =	vand.u32 $0xFFFFFF80, v3  }
0x31: {  	v4 =	vld [tilespmem:s26+$0x14020];
	v2 =	vor.u32 v2, v3;
	_ =	sdelay $0x4  }
0x32: {  	[tilespmem:v2+s1+$0x0] =	vst.idx.msk vm10, v4  }
0x33: {  	v2 =	vld [tilespmem:s26+$0x10030];
	_ =	sdelay $0x4  }
0x34: {  	v3 =	vsub.s32 v2, v0  }
0x35: {  	v2 =	vand.u32 $0x7F, v2;
	vm11 =	vlt.u32 v3, $0x10000;
	v3 =	vand.u32 $0xFFFFFF80, v3  }
0x36: {  	v4 =	vld [tilespmem:s26+$0x14030];
	v2 =	vor.u32 v2, v3;
	_ =	sdelay $0x4  }
0x37: {  	[tilespmem:v2+s1+$0x0] =	vst.idx.msk vm11, v4  }
0x38: {  	v2 =	vld [tilespmem:s26+$0x10040];
	_ =	sdelay $0x4  }
0x39: {  	v3 =	vsub.s32 v2, v0  }
0x3a: {  	v2 =	vand.u32 $0x7F, v2;
	vm12 =	vlt.u32 v3, $0x10000;
	v3 =	vand.u32 $0xFFFFFF80, v3  }
0x3b: {  	v4 =	vld [tilespmem:s26+$0x14040];
	v2 =	vor.u32 v2, v3;
	_ =	sdelay $0x4  }
0x3c: {  	[tilespmem:v2+s1+$0x0] =	vst.idx.msk vm12, v4  }
0x3d: {  	v2 =	vld [tilespmem:s26+$0x10050];
	_ =	sdelay $0x4  }
0x3e: {  	v3 =	vsub.s32 v2, v0  }
0x3f: {  	v2 =	vand.u32 $0x7F, v2;
	vm13 =	vlt.u32 v3, $0x10000;
	v3 =	vand.u32 $0xFFFFFF80, v3  }
0x40: {  	v4 =	vld [tilespmem:s26+$0x14050];
	v2 =	vor.u32 v2, v3;
	_ =	sdelay $0x4  }
0x41: {  	[tilespmem:v2+s1+$0x0] =	vst.idx.msk vm13, v4  }
0x42: {  	v2 =	vld [tilespmem:s26+$0x10060];
	_ =	sdelay $0x4  }
0x43: {  	v3 =	vsub.s32 v2, v0  }
0x44: {  	v2 =	vand.u32 $0x7F, v2;
	vm14 =	vlt.u32 v3, $0x10000;
	v3 =	vand.u32 $0xFFFFFF80, v3  }
0x45: {  	v4 =	vld [tilespmem:s26+$0x14060];
	v2 =	vor.u32 v2, v3;
	_ =	sdelay $0x4  }
0x46: {  	[tilespmem:v2+s1+$0x0] =	vst.idx.msk vm14, v4  }
0x47: {  	v2 =	vld [tilespmem:s26+$0x10070];
	_ =	sdelay $0x4  }
0x48: {  	v3 =	vsub.s32 v2, v0  }
0x49: {  	v2 =	vand.u32 $0x7F, v2;
	vm15 =	vlt.u32 v3, $0x10000;
	v3 =	vand.u32 $0xFFFFFF80, v3  }
0x4a: {  	p0 =	sne.s32 s25, $0x7E00;
	v4 =	vld [tilespmem:s26+$0x14070];
	v2 =	vor.u32 v2, v3  }
.Ltmp1:
0x4b: {  	_ = 	snop;
	(pc) =	sbr.rel @p0 .LBB2_5-.Ltmp1, $2  }
0x4c: {  	_ =	sdelay $0x2  }
0x4d: {  	s25 =	sadd.s32 $0x200, s25;
	[tilespmem:v2+s1+$0x0] =	vst.idx.msk vm15, v4  }
0x4e: {  	s26 =	sshll.u32 s24, $0xB;
	p0 =	seq.s32 s24, $0x3D  }
0x4f: {  	s25 =	sadd.s32 @!p0 $0x800, s26  }
0x50: {  	s29 =	simm.s32 @!p0 $0x0;
	s30 =	simm.s32 @!p0 $0x10000;
	s28 =	sadd.s32 @!p0 s3, s25  }
0x51: {  	[tilespmem:s30], [sflag:$0x1] =	stream.linear.gather @!p0 [hbm4b:s28+s29], $0x2000, $0x38;
	[tilespmem:$0x18480] =	vst v63  }
0x52: {  	s25 =	sadd.s32 @!p0 s4, s25;
	s28 =	simm.s32 @!p0 $0x14000  }
0x53: {  	[tilespmem:s28], [sflag:$0x3] =	stream.linear.gather @!p0 [hbm4b:s25+s29], $0x2000, $0x38;
	[tilespmem:$0x18480] =	vst v63  }
0x54: {  	_ =	swait.ge [sflag:s16], $0x2000  }
0x55: {  	[sflag:s16] =	ssyncset.done $0x0  }
0x56: {  	[sflag:s16] =	ssyncadd.s32 $0xFFFFE000  }
0x57: {  	_ =	swait.ge [sflag:s17], $0x2000  }
0x58: {  	[sflag:s17] =	ssyncset.done $0x0  }
0x59: {  	s25 =	simm.s32 $0x0;
	[sflag:s17] =	ssyncadd.s32 $0xFFFFE000  }
.LBB2_7:
0x5a: {  	s28 =	sshra.s32 s25, $0x2  }
0x5b: {  	v2 =	vld [tilespmem:s28+$0x12000];
	_ =	sdelay $0x4  }
0x5c: {  	v3 =	vsub.s32 v2, v0  }
0x5d: {  	v2 =	vand.u32 $0x7F, v2;
	vm0 =	vlt.u32 v3, $0x10000;
	v3 =	vand.u32 $0xFFFFFF80, v3  }
0x5e: {  	v4 =	vld [tilespmem:s28+$0x16000];
	v2 =	vor.u32 v2, v3;
	_ =	sdelay $0x4  }
0x5f: {  	[tilespmem:v2+s1+$0x0] =	vst.idx.msk vm0, v4  }
0x60: {  	v2 =	vld [tilespmem:s28+$0x12010];
	_ =	sdelay $0x4  }
0x61: {  	v3 =	vsub.s32 v2, v0  }
0x62: {  	v2 =	vand.u32 $0x7F, v2;
	vm9 =	vlt.u32 v3, $0x10000;
	v3 =	vand.u32 $0xFFFFFF80, v3  }
0x63: {  	v4 =	vld [tilespmem:s28+$0x16010];
	v2 =	vor.u32 v2, v3;
	_ =	sdelay $0x4  }
0x64: {  	[tilespmem:v2+s1+$0x0] =	vst.idx.msk vm9, v4  }
0x65: {  	v2 =	vld [tilespmem:s28+$0x12020];
	_ =	sdelay $0x4  }
0x66: {  	v3 =	vsub.s32 v2, v0  }
0x67: {  	v2 =	vand.u32 $0x7F, v2;
	vm10 =	vlt.u32 v3, $0x10000;
	v3 =	vand.u32 $0xFFFFFF80, v3  }
0x68: {  	v4 =	vld [tilespmem:s28+$0x16020];
	v2 =	vor.u32 v2, v3;
	_ =	sdelay $0x4  }
0x69: {  	[tilespmem:v2+s1+$0x0] =	vst.idx.msk vm10, v4  }
0x6a: {  	v2 =	vld [tilespmem:s28+$0x12030];
	_ =	sdelay $0x4  }
0x6b: {  	v3 =	vsub.s32 v2, v0  }
0x6c: {  	v2 =	vand.u32 $0x7F, v2;
	vm11 =	vlt.u32 v3, $0x10000;
	v3 =	vand.u32 $0xFFFFFF80, v3  }
0x6d: {  	v4 =	vld [tilespmem:s28+$0x16030];
	v2 =	vor.u32 v2, v3;
	_ =	sdelay $0x4  }
0x6e: {  	[tilespmem:v2+s1+$0x0] =	vst.idx.msk vm11, v4  }
0x6f: {  	v2 =	vld [tilespmem:s28+$0x12040];
	_ =	sdelay $0x4  }
0x70: {  	v3 =	vsub.s32 v2, v0  }
0x71: {  	v2 =	vand.u32 $0x7F, v2;
	vm12 =	vlt.u32 v3, $0x10000;
	v3 =	vand.u32 $0xFFFFFF80, v3  }
0x72: {  	v4 =	vld [tilespmem:s28+$0x16040];
	v2 =	vor.u32 v2, v3;
	_ =	sdelay $0x4  }
0x73: {  	[tilespmem:v2+s1+$0x0] =	vst.idx.msk vm12, v4  }
0x74: {  	v2 =	vld [tilespmem:s28+$0x12050];
	_ =	sdelay $0x4  }
0x75: {  	v3 =	vsub.s32 v2, v0  }
0x76: {  	v2 =	vand.u32 $0x7F, v2;
	vm13 =	vlt.u32 v3, $0x10000;
	v3 =	vand.u32 $0xFFFFFF80, v3  }
0x77: {  	v4 =	vld [tilespmem:s28+$0x16050];
	v2 =	vor.u32 v2, v3;
	_ =	sdelay $0x4  }
0x78: {  	[tilespmem:v2+s1+$0x0] =	vst.idx.msk vm13, v4  }
0x79: {  	v2 =	vld [tilespmem:s28+$0x12060];
	_ =	sdelay $0x4  }
0x7a: {  	v3 =	vsub.s32 v2, v0  }
0x7b: {  	v2 =	vand.u32 $0x7F, v2;
	vm14 =	vlt.u32 v3, $0x10000;
	v3 =	vand.u32 $0xFFFFFF80, v3  }
0x7c: {  	v4 =	vld [tilespmem:s28+$0x16060];
	v2 =	vor.u32 v2, v3;
	_ =	sdelay $0x4  }
0x7d: {  	[tilespmem:v2+s1+$0x0] =	vst.idx.msk vm14, v4  }
0x7e: {  	v2 =	vld [tilespmem:s28+$0x12070];
	_ =	sdelay $0x4  }
0x7f: {  	v3 =	vsub.s32 v2, v0  }
0x80: {  	v2 =	vand.u32 $0x7F, v2;
	vm15 =	vlt.u32 v3, $0x10000;
	v3 =	vand.u32 $0xFFFFFF80, v3  }
0x81: {  	p1 =	sne.s32 s25, $0x7E00;
	v4 =	vld [tilespmem:s28+$0x16070];
	v2 =	vor.u32 v2, v3  }
.Ltmp2:
0x82: {  	_ = 	snop;
	(pc) =	sbr.rel @p1 .LBB2_7-.Ltmp2, $2  }
0x83: {  	_ =	sdelay $0x2  }
0x84: {  	s25 =	sadd.s32 $0x200, s25;
	[tilespmem:v2+s1+$0x0] =	vst.idx.msk vm15, v4  }
.Ltmp3:
0x85: {  	(pc) =	sbr.rel @p0 .LBB2_10-.Ltmp3, $2  }
0x86: {  	_ =	sdelay $0x2  }
0x87: {  	s25 =	simm.s32 $0x0  }
.Ltmp4:
0x88: {  	s25 =	sadd.s32 $0xC00, s26;
	(pc) =	sbr.rel .LBB2_4-.Ltmp4, $4  }
0x89: {  	s26 =	sadd.s32 s3, s25  }
0x8a: {  	[tilespmem:s12], [sflag:$0x2] =	stream.linear.gather [hbm4b:s26+s1], $0x2000, $0x38;
	[tilespmem:$0x18480] =	vst v63  }
0x8b: {  	s24 =	sadd.s32 $0x1, s24;
	s25 =	sadd.s32 s4, s25  }
0x8c: {  	[tilespmem:s13], [sflag:$0x4] =	stream.linear.gather [hbm4b:s25+s1], $0x2000, $0x38;
	[tilespmem:$0x18480] =	vst v63  }
.LBB2_10:
0x8d: {  	s24 =	simm.s32 $0x40;
	s26 =	simm.s32 $0x0  }
.LBB2_11:
0x8e: {  	p0 =	sne.s32 s24, $0xFC0;
	[tilespmem:s26+$0x18000] =	vst v1;
	s26 =	smov.u32 s24;
	s24 =	sadd.s32 $0x40, s24  }
.Ltmp5:
0x8f: {  	(pc) =	sbr.rel @p0 .LBB2_11-.Ltmp5, $2  }
0x90: {  	_ =	sdelay $0x2  }
0x91: {  	s26 =	sshra.s32 s26, $0x2  }
0x92: {  	[tilespmem:s26+$0x18000] =	vst v1  }
.LBB2_13:
0x93: {  	s24 =	sshll.u32 s25, $0xA;
	s28 =	simm.s32 $0x0  }
0x94: {  	s24 =	sand.u32 $0x3FFFFC00, s24;
	s29 =	sand.u32 $0x380, s28  }
0x95: {  	s26 =	simm.s32 $0x18020;
	s28 =	sand.u32 $0x40, s28;
	s29 =	sadd.s32 s29, s24  }
0x96: {  	v2 =	vld [tilespmem:s26+$0xFFFFFFE0];
	s28 =	sadd.s32 s28, s29  }
0x97: {  	v3 =	vld [tilespmem:s28+$0x0];
	_ =	sdelay $0x3  }
0x98: {  	s28 =	simm.s32 $0x10  }
0x99: {  	s28 =	sand.u32 $0x50, s28;
	v2 =	vmax.f32 v2, v3  }
0x9a: {  	s28 =	sadd.s32 s28, s29;
	[tilespmem:s26+$0xFFFFFFE0] =	vst v2;
	v2 =	vld [tilespmem:s26+$0xFFFFFFF0]  }
0x9b: {  	v5 =	vld [tilespmem:s28+$0x0];
	_ =	sdelay $0x3  }
0x9c: {  	s28 =	simm.s32 $0x20  }
0x9d: {  	s28 =	sand.u32 $0x60, s28;
	v2 =	vmax.f32 v2, v5  }
0x9e: {  	s28 =	sadd.s32 s28, s29;
	[tilespmem:s26+$0xFFFFFFF0] =	vst v2;
	v2 =	vld [tilespmem:s26+$0x0]  }
0x9f: {  	v4 =	vld [tilespmem:s28+$0x0];
	_ =	sdelay $0x3  }
0xa0: {  	s28 =	simm.s32 $0x30  }
0xa1: {  	s28 =	sand.u32 $0x70, s28;
	v2 =	vmax.f32 v2, v4  }
0xa2: {  	v6 =	vld [tilespmem:s26+$0x10];
	s29 =	sadd.s32 s28, s29;
	[tilespmem:s26+$0x0] =	vst v2  }
0xa3: {  	v3 =	vmax.f32 v3, v5;
	v5 =	vld [tilespmem:s29+$0x0];
	_ =	sdelay $0x2  }
0xa4: {  	s30 =	simm.s32 $0x80;
	s28 =	simm.s32 $0x40;
	v2 =	vimm.f32 $-9.999000000e+03;
	s29 =	simm.s32 $0x18020  }
.LBB2_14:
0xa5: {  	p0 =	sne.s32 s30, $0x3C0;
	s31 =	sand.u32 $0x380, s28  }
0xa6: {  	s0 =	sand.u32 $0x40, s28;
	s26 =	sadd.s32 $0x40, s26;
	s31 =	sadd.s32 s31, s24;
	v6 =	vmax.f32 v6, v5;
	v4 =	vmax.f32 v4, v5  }
0xa7: {  	s0 =	sadd.s32 s0, s31;
	v5 =	vld [tilespmem:s26+$0xFFFFFFE0];
	[tilespmem:s29+$0x10] =	vst v6;
	v3 =	vmax.f32 v3, v4;
	s29 =	smov.u32 s26  }
0xa8: {  	v4 =	vld [tilespmem:s0+$0x0];
	v2 =	vmax.f32 v2, v3;
	_ =	sdelay $0x3  }
0xa9: {  	s0 =	sadd.s32 $0x10, s28  }
0xaa: {  	s0 =	sand.u32 $0x50, s0;
	v3 =	vmax.f32 v5, v4  }
0xab: {  	s0 =	sadd.s32 s0, s31;
	[tilespmem:s26+$0xFFFFFFE0] =	vst v3;
	v3 =	vld [tilespmem:s26+$0xFFFFFFF0]  }
0xac: {  	v5 =	vld [tilespmem:s0+$0x0];
	_ =	sdelay $0x3  }
0xad: {  	s0 =	sadd.s32 $0x20, s28  }
0xae: {  	s0 =	sand.u32 $0x60, s0;
	v6 =	vmax.f32 v3, v5;
	v3 =	vmax.f32 v4, v5  }
0xaf: {  	s0 =	sadd.s32 s0, s31;
	[tilespmem:s26+$0xFFFFFFF0] =	vst v6;
	v5 =	vld [tilespmem:s26+$0x0]  }
0xb0: {  	v4 =	vld [tilespmem:s0+$0x0];
	_ =	sdelay $0x3  }
0xb1: {  	s0 =	sadd.s32 $0x30, s28;
	s28 =	smov.u32 s30  }
0xb2: {  	s0 =	sand.u32 $0x70, s0;
	v5 =	vmax.f32 v5, v4  }
.Ltmp6:
0xb3: {  	s0 =	sadd.s32 s0, s31;
	[tilespmem:s26+$0x0] =	vst v5;
	v6 =	vld [tilespmem:s26+$0x10];
	(pc) =	sbr.rel @p0 .LBB2_14-.Ltmp6, $2  }
0xb4: {  	v5 =	vld [tilespmem:s0+$0x0];
	_ =	sdelay $0x2  }
0xb5: {  	s30 =	sadd.s32 $0x40, s30  }
0xb6: {  	s0 =	sand.u32 $0x380, s28  }
0xb7: {  	s26 =	sadd.s32 $0x40, s26;
	s30 =	sand.u32 $0x40, s28;
	s0 =	sadd.s32 s0, s24;
	v6 =	vmax.f32 v6, v5  }
0xb8: {  	v7 =	vld [tilespmem:s26+$0xFFFFFFE0];
	s24 =	sadd.s32 s30, s0;
	[tilespmem:s29+$0x10] =	vst v6  }
0xb9: {  	v6 =	vld [tilespmem:s24+$0x0];
	_ =	sdelay $0x3  }
0xba: {  	s29 =	sadd.s32 $0x10, s28  }
0xbb: {  	s24 =	sand.u32 $0x50, s29;
	v7 =	vmax.f32 v7, v6  }
0xbc: {  	v59 =	vld [tilespmem:s26+$0xFFFFFFF0];
	s24 =	sadd.s32 s24, s0;
	[tilespmem:s26+$0xFFFFFFE0] =	vst v7  }
0xbd: {  	v8 =	vld [tilespmem:s24+$0x0];
	_ =	sdelay $0x3  }
0xbe: {  	s30 =	sadd.s32 $0x20, s28  }
0xbf: {  	s24 =	sand.u32 $0x60, s30;
	v7 =	vmax.f32 v59, v8  }
0xc0: {  	v60 =	vld [tilespmem:s26+$0x0];
	s24 =	sadd.s32 s24, s0;
	[tilespmem:s26+$0xFFFFFFF0] =	vst v7  }
0xc1: {  	v9 =	vld [tilespmem:s24+$0x0];
	_ =	sdelay $0x3  }
0xc2: {  	s31 =	sadd.s32 $0x30, s28  }
0xc3: {  	s24 =	sand.u32 $0x70, s31;
	v7 =	vmax.f32 v60, v9  }
0xc4: {  	s0 =	sadd.s32 s24, s0;
	[tilespmem:s26+$0x0] =	vst v7  }
0xc5: {  	v7 =	vld [tilespmem:s0+$0x0];
	_ =	sdelay $0x3  }
0xc6: {  	v4 =	vmax.f32 v4, v5  }
0xc7: {  	v3 =	vmax.f32 v3, v4;
	v61 =	vmax.f32 v6, v8;
	v62 =	vmax.f32 v9, v7  }
0xc8: {  	v2 =	vmax.f32 v2, v3;
	v3 =	vmax.f32 v61, v62  }
0xc9: {  	v2 =	vmax.f32 v2, v3  }
0xca: {  	(xrf0) =	vmax.scan.msk.f32 $0xffff, v2;
	_ =	sdelay $0x1  }
0xcb: {  	v2 =	vld [tilespmem:s26+$0x10]  }
0xcc: {  	v3 =	vmov s25;
	s25 =	sadd.s32 $0x1, s25  }
0xcd: {  	p0 =	sne.s32 s25, $0x40  }
.Ltmp7:
0xce: {  	_ = 	snop;
	(pc) =	sbr.rel @p0 .LBB2_13-.Ltmp7, $4  }
0xcf: {  	v63, _, _ =	vpop (xrf0)  }
0xd0: {  	v2 =	vmax.f32 v2, v7;
	v4 =	vbroadcast v63, $0xF  }
0xd1: {  	[tilespmem:s26+$0x10] =	vst v2  }
0xd2: {  	[tilespmem:v3+s18+$0x0] =	vst.idx.msk $0x1, v4  }
0xd3: {  	[hbm4b:s7+s1] =	stream.linear.scatter [tilespmem:s18], [sflag:$0x5], $0x40, $0x38;
	[tilespmem:$0x18480] =	vst v63  }
0xd4: {  	s23 =	sadd.s32 $0x1, s23;
	_ =	swait.ge [sflag:s19], $0x40  }
0xd5: {  	p0 =	sne.s32 s23, s9;
	[sflag:s19] =	ssyncset.done $0x0  }
.Ltmp8:
0xd6: {  	[sflag:s19] =	ssyncadd.s32 $0xFFFFFFC0;
	(pc) =	sbr.rel @p0 .LBB2_1-.Ltmp8, $4  }
0xd7: {  	[hbm4b:s8+s20] =	stream.strided.scatter [tilespmem:s22], [sflag:$0x5], $0x400, s21, s20, $0x38;
	[tilespmem:$0x18480] =	vst v63  }
0xd8: {  	_ =	swait.ge [sflag:s19], $0x400  }
0xd9: {  	[sflag:s19] =	ssyncset.done $0x0  }
0xda: {  	[sflag:s19] =	ssyncadd.s32 $0xFFFFFC00  }
0xdb: {  	_ =	sfence.sel $0x180000  }
0xdc: {  	[bflag:$0x0] =	sbarrier.arrive $0xFFFF  }
0xdd: {  	_ =	strace $0x9000004A  }
0xde: {  	[bflag:$0x2] =	sbarrier.arrive $0xFFFF  }
0xdf: {  	p0 =	sne.s32 s2, $0x0;
	s0 =	rddreg [dreg:$0x2]  }
0xe0: {  	s0 =	sadd.s32 @!p0 $0x100000, s0  }
0xe1: {  	[sflag:s0] =	ssyncadd.tile.s32 @!p0 $0x1;
	_ =	shalt  }
.Lfunc_end2:
_tile_overlayer_lowered:
.L_overlay_start_2:
0xe2: {  	(tag) =	ssettag $0x2  }
0xe3: {  	s0 =	rddreg [dreg:$0x0];
	s2 =	stileid.u32  }
0xe4: {  	s1 =	rddreg [dreg:$0x1];
	p0 =	sne.s32 s2, $0x0  }
0xe5: {  	s3 =	rddreg [dreg:$0x2];
	[bflag:$0x3] =	sbarrier.arrive $0xFFFF;
	s2 =	simm.s32 @!p0 $0x1C05  }
0xe6: {  	[timem:s3], [sflag:s2] =	dma.local @!p0 [hbm:s0], s1  }
0xe7: {  	s0 =	simm.s32 @!p0 $0x5  }
0xe8: {  	_ =	swait.ge @!p0 [sflag:s0], s1  }
0xe9: {  	s1 =	ssub.s32 @!p0 $0x0, s1;
	[sflag:s0] =	ssyncset.done @!p0 $0x0  }
0xea: {  	[sflag:s0] =	ssyncadd.s32 @!p0 s1  }
0xeb: {  	[bflag:$0x3] =	sbarrier.arrive $0xFFFF  }
0xec: {  	_ =	shalt  }

// kernel: sparse-core-data-format-call.cloned.1.call-start
scs
called_computation_lowered:
.L_overlay_start_0:
0x0: {  	s2 =	sld [smem:$0x3FD9]  }
0x1: {  	s3 =	sld [smem:$0x3FFE];
	_ =	sdelay $0x1  }
0x2: {  	s1 =	srdreg.scid  }
0x3: {  	s0 =	sand.u32 $0x1, s1  }
0x4: {  	s18 =	sshll.u32 s0, $0xA;
	s2 =	sadd.s32 s3, s2  }
0x5: {  	s2 =	sadd.s32 s2, s18  }
0x6: {  	[smem:$0x3FBE] =	sst s2  }
0x7: {  	_ = 	snop  }
0x8: {  	s2 =	sld [smem:$0x3FC9];
	(tm) =	ssettm $0x1  }
0x9: {  	s19 =	sld [smem:$0x3FFB];
	_ =	sdelay $0x3  }
0xa: {  	_ =	strace s19  }
0xb: {  	s3 =	sld [smem:$0x3FFC];
	_ =	sdelay $0x3  }
0xc: {  	_ =	strace s3  }
0xd: {  	s3 =	sld [smem:$0x3FFD];
	_ =	sdelay $0x3  }
0xe: {  	_ =	strace s3  }
0xf: {  	_ =	strace $0x8FFFFFFF  }
0x10: {  	s20 =	sld [smem:$0x3FDB];
	_ =	sdelay $0x1  }
0x11: {  	s4 =	simm.s32 $_scs_section_size  }
0x12: {  	s5 =	simm.s32 $_size__tile_overlayer_lowered;
	s6 =	simm.s32 $_tile_overlayer_lowered  }
0x13: {  	s23 =	simm.s32 $0x1BFF;
	s22 =	sshll.u32 s6, $0x1;
	s3 =	sadd.s32 s4, s20  }
0x14: {  	s7 =	simm.s32 $0x0;
	s21 =	sshll.u32 s5, $0x1;
	s5 =	sadd.s32 s22, s3  }
0x15: {  	[timem:s7], [sflag:s23] =	dma.local [hbm:s5], s21  }
0x16: {  	_ =	swait.ge [sflag:s23], s21  }
0x17: {  	s4 =	ssub.s32 $0x0, s21;
	[sflag:s23] =	ssyncset.done $0x0  }
0x18: {  	[sflag:s23] =	ssyncadd.s32 s4;
	_ =	sdelay $0x1  }
0x19: {  	s24 =	simm.s32 $0x1B8B  }
0x1a: {  	_ =	swait.ge [sflag:s24], $0x1  }
0x1b: {  	[sflag:s24] =	ssyncset.done $0x0  }
0x1c: {  	s26 =	simm.s32 $0x1B8E;
	s25 =	sld [smem:$0x3FFE];
	[sflag:s24] =	ssyncadd.s32 $0xFFFFFFFF  }
0x1d: {  	s27 =	simm.s32 $execute0_lowered;
	[smem:$0x3FD2] =	sst s26  }
0x1e: {  	s5 =	sshll.u32 s27, $0x1;
	_ =	strace $0x80000046;
	[dreg:$0x1] =	wrdreg $0xFFFFFFFF  }
0x1f: {  	s28 =	simm.s32 $_size_execute0_lowered;
	s3 =	sadd.s32 s3, s5;
	[dreg:$0x0] =	wrdreg $0x0  }
0x20: {  	s5 =	sshll.u32 s28, $0x1;
	[dreg:$0x2] =	wrdreg s3  }
0x21: {  	[dreg:$0x3] =	wrdreg s5  }
0x22: {  	[dreg:$0x4] =	wrdreg $0xC0  }
0x23: {  	_ =	task [dreg:s7], $0x5FFFF  }
0x24: {  	[dreg:$0x1] =	wrdreg $0xFFFFFFFF  }
0x25: {  	[dreg:$0x0] =	wrdreg $0x60  }
0x26: {  	[dreg:$0x2] =	wrdreg s2  }
0x27: {  	[dreg:$0x3] =	wrdreg s25  }
0x28: {  	[dreg:$0x4] =	wrdreg $0x9  }
0x29: {  	_ =	task.clear_ibuf [dreg:s7], $0x5FFFF;
	_ =	strace $0x90000046  }
0x2a: {  	s29 =	simm.s32 $0x9;
	_ =	strace $0x80000048  }
0x2b: {  	_ =	swait.ge [sflag:s29], $0x1  }
0x2c: {  	[sflag:s29] =	ssyncadd.s32 $0xFFFFFFFF  }
0x2d: {  	_ =	strace $0x90000048  }
0x2e: {  	_ =	sfence  }
0x2f: {  	s30 =	sld [smem:$0x0];
	_ =	sdelay $0x2  }
0x30: {  	s31 =	sshll.u32 s1, $0xD;
	s1 =	sshrl.u32 s1, $0x2  }
0x31: {  	s3 =	sand.u32 $0x4000, s31;
	s1 =	sadd.s32 s1, s30  }
0x32: {  	s0 =	sor.u32 s3, s0;
	s1 =	sshll.u32 s1, $0x11  }
0x33: {  	s0 =	sor.u32 s1, s0  }
0x34: {  	s0 =	sadd.s32 $0x8F2B, s0  }
0x35: {  	[sflag:s0] =	ssyncadd.remote.s32 $0x1  }
0x36: {  	_ =	sfence.sel $0xFFFF  }
0x37: {  	[dreg:$0x0] =	wrdreg $0xFFFFFFFF;
	(pc) =	sbr.abs _section_cstart, $3  }
0x38: {  	[dreg:$0x1] =	wrdreg $0xFFFFFFFF  }
0x39: {  	_ =	task.clear_ibuf [dreg:s7], $0x2FFFF;
	_ =	strace $0x9FFFFFFF  }
0x3a: {  	(tm) =	ssettm $0x7FFFFFFF  }
0x3b: {  	_ =	shalt  }
tec
execute0_lowered:
.L_overlay_start_1:
0x0: {  	(tag) =	ssettag $0x1  }
0x1: {  	s0 =	srdreg.scid;
	s2 =	rddreg [dreg:$0x0]  }
0x2: {  	s6 =	rddreg [dreg:$0x1];
	s4 =	simm.s32 $0x1;
	s7 =	simm.s32 $0x2  }
0x3: {  	s12 =	simm.s32 $0x0;
	p0 =	por $0x0, $0x0;
	s1 =	sshll.u32 s0, $0x4  }
0x4: {  	s8 =	simm.s32 $0x7A1400;
	s0 =	stileid.u32;
	s1 =	sand.u32 $0x10, s1  }
.Ltmp0:
0x5: {  	s13 =	simm.s32 $0x0;
	s3 =	sor.u32 s0, s1;
	(pc) =	sbr.rel .LBB1_1-.Ltmp0, $4  }
0x6: {  	s10 =	simm.s32 $0x0;
	s11 =	simm.s32 $0x0;
	s3 =	sshll.u32 s3, $0x7  }
0x7: {  	s1 =	rddreg [dreg:$0x2];
	_ =	strace $0x80000047;
	s5 =	ssub.s32 $0xF4200, s3  }
0x8: {  	s6 =	sadd.s32 $0x2400, s6;
	[sflag:s4] =	ssyncpa.u1 $0x0;
	s5 =	sshrl.u32 s5, $0xC  }
0x9: {  	[sflag:s7] =	ssyncpa.u1 $0x0;
	s9 =	smov.u32 s3;
	s7 =	sadd.s32 $0x2, s5  }
.LBB1_5:
0xa: {  	s14 =	sadd.s32 $0x1000, s9  }
0xb: {  	s12 =	sadd.s32 $0x10, s10;
	s16 =	smov.u32 s10;
	p2 =	sgt.s32 s14, $0xF423F  }
0xc: {  	s16 =	smov.u32 @p2 s12  }
0xd: {  	s14 =	smov.u32 @p2 s3;
	p2 =	sgt.s32 s16, $0x8  }
0xe: {  	s16 =	simm.s32 @p2 $0x0;
	p2 =	sne.s32 s11, s7  }
.Ltmp1:
0xf: {  	p1 =	slt.u32 s11, $0x2;
	(pc) =	sbr.rel @!p2 .LBB1_6-.Ltmp1, $4  }
0x10: {  	s15 =	simm.s32 @!p1 $0x2  }
0x11: {  	s13 =	smov.u32 s10;
	p0 =	por !p0, !p0;
	_ =	swait.ge @!p1 [sflag:s15], $0x800  }
0x12: {  	s12 =	smov.u32 s9;
	[sflag:s15] =	ssyncset.done @!p1 $0x0;
	s9 =	smov.u32 s14  }
0x13: {  	s11 =	sadd.s32 $0x1, s11;
	[sflag:s15] =	ssyncadd.s32 @!p1 $0xFFFFF800;
	s10 =	smov.u32 s16  }
.LBB1_1:
0x14: {  	p1 =	sgt.u32 s11, s5  }
0x15: {  	s14 =	smov.u32 s10;
	p2 =	sgt.s32 @!p1 s10, $0xFFFFFFF9  }
0x16: {  	s15 =	sshra.s32 @!p1 s10, $0x1F;
	s16 =	sshra.s32 @!p1 s9, $0x1F;
	p2 =	por !p2, p1  }
0x17: {  	s15 =	sand.u32 @!p1 s15, s10;
	s14 =	simm.s32 @p2 $0xFFFFFFF9;
	p2 =	sgt.s32 @!p1 s9, $0xF4200  }
0x18: {  	s14 =	ssub.s32 @!p1 s14, s15;
	p2 =	por !p2, p1;
	s15 =	smov.u32 s9  }
0x19: {  	s16 =	sand.u32 @!p1 s16, s9;
	s17 =	sadd.s32 @!p1 $0x7, s14;
	s15 =	simm.s32 @p2 $0xF4200  }
0x1a: {  	s18 =	smulhi.u32 @!p1 $0x218D6287, s9;
	p2 =	sgt.s32 @!p1 s17, $0xF;
	s15 =	ssub.s32 @!p1 s15, s16  }
0x1b: {  	s14 =	ssub.s32 @!p1 $0x9, s14;
	p2 =	por !p2, p1;
	s16 =	sadd.s32 @!p1 $0xFFF0BE00, s15  }
0x1c: {  	s14 =	simm.s32 @!p2 $0x0;
	p2 =	sgt.s32 @!p1 s16, $0x7F  }
0x1d: {  	s15 =	ssub.s32 @!p1 $0xF4280, s15;
	s16 =	sshrl.u32 @!p1 s18, $0x11;
	p2 =	por !p2, p1  }
0x1e: {  	s16 =	smul.u32 @!p1 $0xF4280, s16;
	s15 =	simm.s32 @!p2 $0x0  }
0x1f: {  	s17 =	sxor.u32 @!p1 $0xFFFFFFFF, s11;
	s14 =	smul.u32 @!p1 s14, s15  }
0x20: {  	s15 =	sshll.u32 @!p1 s17, $0xB;
	s16 =	ssub.s32 @!p1 s9, s16;
	s17 =	smul.u32 @!p1 $0x1E850, s10  }
0x21: {  	s15 =	sand.u32 @!p1 $0x800, s15;
	s18 =	sand.u32 @!p1 $0x7, s16;
	s16 =	sshrl.u32 @!p1 s16, $0x3  }
0x22: {  	s14 =	sand.u32 @!p1 $0x3FFFFFFF, s14;
	s17 =	sadd.s32 @!p1 s2, s17;
	s18 =	sshll.u32 @!p1 s18, $0x12  }
0x23: {  	s16 =	sadd.s32 @!p1 s16, s17;
	s17 =	sor.u32 @!p1 $0x80, s18;
	s18 =	simm.s32 @!p1 $0xF4280  }
0x24: {  	[tilespmem:s15], [sflag:$0x1] =	stream.strided.gather @!p1 [hbm4b:s16+s17], s14, s18, s17, $0x38;
	[tilespmem:$0x2000] =	vst v63  }
0x25: {  	p1 =	seq.s32 s11, $0x0  }
0x26: {  	p2 =	sge.u32 @!p1 s11, s7  }
0x27: {  	p1 =	por p1, p2  }
.Ltmp2:
0x28: {  	_ = 	snop;
	(pc) =	sbr.rel @p1 .LBB1_5-.Ltmp2, $1  }
0x29: {  	_ =	sdelay $0x3  }
0x2a: {  	p1 =	sgt.s32 s13, $0xFFFFFFF9;
	s14 =	smov.u32 s13  }
0x2b: {  	s15 =	sshra.s32 s13, $0x1F;
	s16 =	smov.u32 s12;
	s17 =	sshra.s32 s12, $0x1F  }
0x2c: {  	s14 =	simm.s32 @!p1 $0xFFFFFFF9;
	s15 =	sand.u32 s15, s13;
	p1 =	sgt.s32 s12, $0xF4200  }
0x2d: {  	s28 =	sand.u32 s17, s12;
	s17 =	simm.s32 $0x1;
	s16 =	simm.s32 @!p1 $0xF4200  }
0x2e: {  	s14 =	ssub.s32 s14, s15;
	s17 =	simm.s32 @!p0 $0x0;
	s15 =	ssub.s32 s16, s28  }
0x2f: {  	s18 =	sadd.s32 $0x7, s14;
	s14 =	ssub.s32 $0x9, s14;
	s16 =	sadd.s32 $0xFFF0BE00, s15  }
0x30: {  	p1 =	sgt.s32 s18, $0xF;
	s15 =	ssub.s32 $0xF4280, s15;
	p2 =	sgt.s32 s16, $0x7F  }
0x31: {  	s17 =	sshll.u32 s17, $0xB;
	s14 =	simm.s32 @p1 $0x0;
	s15 =	simm.s32 @p2 $0x0  }
0x32: {  	s29 =	sor.u32 $0x70, s17;
	s14 =	smul.u32 s14, s15  }
0x33: {  	v1 =	vmov s29  }
0x34: {  	s14 =	sand.u32 $0x3FFFFFFF, s14  }
0x35: {  	_ =	swait.ge [sflag:s4], s14  }
0x36: {  	s14 =	ssub.s32 $0x0, s14;
	[sflag:s4] =	ssyncset.done $0x0  }
0x37: {  	s16 =	simm.s32 $0x0;
	[sflag:s4] =	ssyncadd.s32 s14  }
0x38: {  	s30 =	sor.u32 $0x1040, s17;
	v6 =	vld.idx.msk [tilespmem:v1+s16+$0x0 ss:$0x1], $0xffff  }
0x39: {  	v0 =	vmov s30;
	v8 =	vld.idx.msk [tilespmem:v1+s16+$0xFFFFFF90 ss:$0x1], $0xffff  }
0x3a: {  	v7 =	vld.idx.msk [tilespmem:v1+s16+$0xFFFFFFA0 ss:$0x1], $0xffff  }
0x3b: {  	v5 =	vld.idx.msk [tilespmem:v1+s16+$0xFFFFFFB0 ss:$0x1], $0xffff  }
0x3c: {  	v4 =	vld.idx.msk [tilespmem:v1+s16+$0xFFFFFFC0 ss:$0x1], $0xffff  }
0x3d: {  	s31 =	sshll.u32 s11, $0xB;
	v2 =	vld.idx.msk [tilespmem:v1+s16+$0xFFFFFFD0 ss:$0x1], $0xffff  }
0x3e: {  	s14 =	sand.u32 $0x800, s31;
	v3 =	vld.idx.msk [tilespmem:v1+s16+$0xFFFFFFE0 ss:$0x1], $0xffff;
	[tilespmem:v0+s16+$0x30 ss:$0x1] =	vst.idx.msk $0xffff, v6  }
0x3f: {  	s17 =	simm.s32 $0x400;
	s15 =	simm.s32 $0x80;
	s14 =	sor.u32 $0x1000, s14;
	[tilespmem:v0+s16+$0xFFFFFFC0 ss:$0x1] =	vst.idx.msk $0xffff, v8;
	v6 =	vld.idx.msk [tilespmem:v1+s16+$0xFFFFFFF0 ss:$0x1], $0xffff  }
.LBB1_3:
0x40: {  	p1 =	sne.s32 s17, $0x1E00;
	v8 =	vld.idx.msk [tilespmem:v1+s15+$0x0 ss:$0x1], $0xffff;
	[tilespmem:v0+s16+$0xFFFFFFD0 ss:$0x1] =	vst.idx.msk $0xffff, v7  }
0x41: {  	v9 =	vld.idx.msk [tilespmem:v1+s15+$0xFFFFFF90 ss:$0x1], $0xffff;
	[tilespmem:v0+s16+$0xFFFFFFE0 ss:$0x1] =	vst.idx.msk $0xffff, v5  }
0x42: {  	v7 =	vld.idx.msk [tilespmem:v1+s15+$0xFFFFFFA0 ss:$0x1], $0xffff;
	[tilespmem:v0+s16+$0xFFFFFFF0 ss:$0x1] =	vst.idx.msk $0xffff, v4  }
.Ltmp3:
0x43: {  	v5 =	vld.idx.msk [tilespmem:v1+s15+$0xFFFFFFB0 ss:$0x1], $0xffff;
	[tilespmem:v0+s16+$0x0 ss:$0x1] =	vst.idx.msk $0xffff, v2;
	(pc) =	sbr.rel @p1 .LBB1_3-.Ltmp3, $4  }
0x44: {  	v4 =	vld.idx.msk [tilespmem:v1+s15+$0xFFFFFFC0 ss:$0x1], $0xffff;
	[tilespmem:v0+s16+$0x10 ss:$0x1] =	vst.idx.msk $0xffff, v3  }
0x45: {  	v2 =	vld.idx.msk [tilespmem:v1+s15+$0xFFFFFFD0 ss:$0x1], $0xffff;
	[tilespmem:v0+s16+$0x20 ss:$0x1] =	vst.idx.msk $0xffff, v6;
	s16 =	smov.u32 s15  }
0x46: {  	v3 =	vld.idx.msk [tilespmem:v1+s16+$0xFFFFFFE0 ss:$0x1], $0xffff;
	[tilespmem:v0+s16+$0x30 ss:$0x1] =	vst.idx.msk $0xffff, v8  }
0x47: {  	s15 =	sshra.s32 s17, $0x2;
	s17 =	sadd.s32 $0x200, s17;
	[tilespmem:v0+s16+$0xFFFFFFC0 ss:$0x1] =	vst.idx.msk $0xffff, v9;
	v6 =	vld.idx.msk [tilespmem:v1+s16+$0xFFFFFFF0 ss:$0x1], $0xffff  }
0x48: {  	_ =	sdelay $0x2  }
0x49: {  	s17 =	sshrl.u32 s13, $0x3  }
0x4a: {  	[tilespmem:v0+s16+$0xFFFFFFD0 ss:$0x1] =	vst.idx.msk $0xffff, v7;
	s18 =	sshll.u32 s12, $0x3;
	s17 =	smul.u32 $0x7A1400, s17  }
0x4b: {  	v56 =	vld.idx.msk [tilespmem:v1+s15+$0x0 ss:$0x1], $0xffff;
	[tilespmem:v0+s16+$0xFFFFFFE0 ss:$0x1] =	vst.idx.msk $0xffff, v5;
	s29 =	sshll.u32 s13, $0x7;
	s18 =	sand.u32 $0xFFFFFC00, s18  }
0x4c: {  	v57 =	vld.idx.msk [tilespmem:v1+s15+$0xFFFFFF90 ss:$0x1], $0xffff;
	[tilespmem:v0+s16+$0xFFFFFFF0 ss:$0x1] =	vst.idx.msk $0xffff, v4;
	s13 =	sand.u32 $0x380, s29;
	s17 =	sadd.s32 s17, s18  }
0x4d: {  	v58 =	vld.idx.msk [tilespmem:v1+s15+$0xFFFFFFA0 ss:$0x1], $0xffff;
	s30 =	sand.u32 $0x7F, s12;
	[tilespmem:v0+s16+$0x0 ss:$0x1] =	vst.idx.msk $0xffff, v2;
	s13 =	sor.u32 s13, s17  }
0x4e: {  	v59 =	vld.idx.msk [tilespmem:v1+s15+$0xFFFFFFB0 ss:$0x1], $0xffff;
	[tilespmem:v0+s16+$0x10 ss:$0x1] =	vst.idx.msk $0xffff, v3;
	s12 =	sor.u32 s30, s13  }
0x4f: {  	v60 =	vld.idx.msk [tilespmem:v1+s15+$0xFFFFFFC0 ss:$0x1], $0xffff;
	[tilespmem:v0+s16+$0x20 ss:$0x1] =	vst.idx.msk $0xffff, v6;
	s31 =	smulhi.u32 $0x218D6287, s12  }
0x50: {  	v61 =	vld.idx.msk [tilespmem:v1+s15+$0xFFFFFFD0 ss:$0x1], $0xffff;
	[tilespmem:v0+s15+$0x30 ss:$0x1] =	vst.idx.msk $0xffff, v56  }
0x51: {  	v62 =	vld.idx.msk [tilespmem:v1+s15+$0xFFFFFFE0 ss:$0x1], $0xffff;
	[tilespmem:v0+s15+$0xFFFFFFC0 ss:$0x1] =	vst.idx.msk $0xffff, v57;
	s13 =	smulhi.u32 $0x218D6287, s13;
	s16 =	sshrl.u32 s31, $0x11  }
0x52: {  	v63 =	vld.idx.msk [tilespmem:v1+s15+$0xFFFFFFF0 ss:$0x1], $0xffff;
	[tilespmem:v0+s15+$0xFFFFFFD0 ss:$0x1] =	vst.idx.msk $0xffff, v58;
	s16 =	smul.u32 $0xF4280, s16  }
0x53: {  	[tilespmem:v0+s15+$0xFFFFFFE0 ss:$0x1] =	vst.idx.msk $0xffff, v59;
	s13 =	sshrl.u32 s13, $0x11  }
.Ltmp4:
0x54: {  	[tilespmem:v0+s15+$0xFFFFFFF0 ss:$0x1] =	vst.idx.msk $0xffff, v60;
	s13 =	sand.u32 $0xF, s13;
	s12 =	ssub.s32 s12, s16;
	(pc) =	sbr.rel .LBB1_5-.Ltmp4, $4  }
0x55: {  	[tilespmem:v0+s15+$0x0 ss:$0x1] =	vst.idx.msk $0xffff, v61;
	s13 =	smul.u32 $0x1E850, s13;
	s16 =	sshrl.u32 s12, $0x3;
	s12 =	sand.u32 $0x7, s12  }
0x56: {  	[tilespmem:v0+s15+$0x10 ss:$0x1] =	vst.idx.msk $0xffff, v62;
	s16 =	sadd.s32 s6, s16;
	s12 =	sshll.u32 s12, $0x12  }
0x57: {  	[tilespmem:v0+s15+$0x20 ss:$0x1] =	vst.idx.msk $0xffff, v63;
	s13 =	sadd.s32 s13, s16;
	s12 =	sor.u32 $0x400, s12  }
0x58: {  	[hbm4b:s13+s12] =	stream.strided.scatter [tilespmem:s14], [sflag:$0x2], $0x800, s8, s12, $0x38;
	[tilespmem:$0x2000] =	vst v63  }
.LBB1_6:
0x59: {  	_ =	sfence.sel $0x180000  }
0x5a: {  	s2 =	simm.s32 $0x1;
	[bflag:$0x0] =	sbarrier.arrive $0xFFFF  }
0x5b: {  	s31 =	simm.s32 $0x2;
	[sflag:s2] =	ssyncpa.u1 $0x1  }
0x5c: {  	[sflag:s31] =	ssyncpa.u1 $0x1  }
0x5d: {  	p0 =	sne.s32 s0, $0x0;
	_ =	strace $0x90000047  }
0x5e: {  	s0 =	sadd.s32 @!p0 $0x100000, s1;
	[bflag:$0x2] =	sbarrier.arrive $0xFFFF  }
0x5f: {  	[sflag:s0] =	ssyncadd.tile.s32 @!p0 $0x1;
	_ =	shalt  }
.Lfunc_end1:
_tile_overlayer_lowered:
.L_overlay_start_2:
0x60: {  	(tag) =	ssettag $0x2  }
0x61: {  	s0 =	rddreg [dreg:$0x0];
	s2 =	stileid.u32  }
0x62: {  	s1 =	rddreg [dreg:$0x1];
	p0 =	sne.s32 s2, $0x0  }
0x63: {  	s3 =	rddreg [dreg:$0x2];
	[bflag:$0x3] =	sbarrier.arrive $0xFFFF;
	s2 =	simm.s32 @!p0 $0x1C01  }
0x64: {  	[timem:s3], [sflag:s2] =	dma.local @!p0 [hbm:s0], s1  }
0x65: {  	s0 =	simm.s32 @!p0 $0x1  }
0x66: {  	_ =	swait.ge @!p0 [sflag:s0], s1  }
0x67: {  	s1 =	ssub.s32 @!p0 $0x0, s1;
	[sflag:s0] =	ssyncset.done @!p0 $0x0  }
0x68: {  	[sflag:s0] =	ssyncadd.s32 @!p0 s1  }
0x69: {  	[bflag:$0x3] =	sbarrier.arrive $0xFFFF  }
0x6a: {  	_ =	shalt  }

</sc_bundles>
